<compile_context>
chip_gen: v7x
topology: tpu7x:2x2x1
jax: 0.10.2.dev20260603
libtpu: 0.0.44.dev20260713+nightly
codegen_flags: <defaults>
</compile_context>

<pallas_src>
import functools

import jax
import jax.numpy as jnp
from jax import lax
from jax.experimental import pallas as pl
from jax.experimental.pallas import tpu as pltpu
from jax.experimental.pallas import tpu_sc as plsc

B = 128
V = 100000
_NEG_INF = float("-inf")

SC_NC = 2
SC_NS = 16
NW = SC_NC * SC_NS
SC_L = 16

T = 80
NB = 8
WROWS = T * NB
SC_ROWS = NW * WROWS
C0 = V - SC_ROWS

CHUNK = 7952
NCHUNK = C0 // CHUNK



def _tc_kernel(label_ref, logits_ref, out_ref, acc_ref):
    i = pl.program_id(0)
    x = logits_ref[...]
    lab = label_ref[...].reshape(1, B)
    riota = jax.lax.broadcasted_iota(jnp.int32, (CHUNK, B), 0)
    is_lab = riota == (lab - i * CHUNK)
    m = jnp.max(jnp.where(is_lab, _NEG_INF, x), axis=0).reshape(1, B)

    @pl.when(i == 0)
    def _init():
        acc_ref[...] = m

    @pl.when(i > 0)
    def _acc():
        acc_ref[...] = jnp.maximum(acc_ref[...], m)

    @pl.when(i == NCHUNK - 1)
    def _fin():
        out_ref[...] = acc_ref[...].reshape(B)


def _tc_call(logits_t, label):
    return pl.pallas_call(
        _tc_kernel,
        grid=(NCHUNK,),
        in_specs=[
            pl.BlockSpec((B,), lambda i: (0,)),
            pl.BlockSpec((CHUNK, B), lambda i: (i, 0)),
        ],
        out_specs=pl.BlockSpec((B,), lambda i: (0,)),
        out_shape=jax.ShapeDtypeStruct((B,), jnp.float32),
        scratch_shapes=[pltpu.VMEM((1, B), jnp.float32)],
        compiler_params=pltpu.CompilerParams(
            dimension_semantics=("arbitrary",),
        ),
    )(label, logits_t)



def _sc_body(logits_hbm, labelf_hbm, outm1_hbm, outm2_hbm, outg_hbm,
             labbuf, buf_a, buf_b, obuf, gbuf, sem_a, sem_b):
    c = lax.axis_index("c")
    s = lax.axis_index("s")
    wid = s * SC_NC + c
    row0 = C0 + wid * WROWS

    ninf = jnp.full((SC_L,), _NEG_INF, jnp.float32)
    lane = lax.iota(jnp.int32, SC_L)

    pltpu.sync_copy(labelf_hbm.at[pl.ds(wid * 4 * SC_L, 4 * SC_L)], labbuf)
    for j in range(4):
        lv = labbuf[pl.ds(j * SC_L, SC_L)]
        lab = lv[0]
        rlane = wid * 4 + j
        gbase = (rlane // SC_L) * SC_L
        pltpu.sync_copy(
            logits_hbm.at[pl.ds(lab, 1), :],
            gbuf.at[pl.ds(j, 1), :])
        v = gbuf[j, pl.ds(gbase, SC_L)]
        hit = lane == (rlane % SC_L)
        obuf[pl.ds((16 + j) * SC_L, SC_L)] = jnp.where(hit, v, ninf)

    bufs = (buf_a, buf_b)
    sems = (sem_a, sem_b)

    def issue(bidx, which):
        pltpu.async_copy(
            logits_hbm.at[pl.ds(row0 + bidx * T, T), :],
            bufs[which], sems[which])

    def process(bidx, which, accs):
        buf = bufs[which]
        pltpu.make_async_copy(
            logits_hbm.at[pl.ds(row0 + bidx * T, T), :],
            buf, sems[which]).wait()

        def tbody(t, accs):
            new = []
            for h in range(8):
                m1, m2 = accs[2 * h], accs[2 * h + 1]
                x = buf[t, pl.ds(h * SC_L, SC_L)]
                m2 = jnp.maximum(m2, jnp.minimum(m1, x))
                m1 = jnp.maximum(m1, x)
                new.append(m1)
                new.append(m2)
            return tuple(new)

        return lax.fori_loop(0, T, tbody, accs)

    accs = (ninf,) * 16
    issue(0, 0)

    def pair(p, accs):
        issue(2 * p + 1, 1)
        accs = process(2 * p, 0, accs)

        @pl.when(2 * p + 2 < NB)
        def _next():
            issue(2 * p + 2, 0)

        accs = process(2 * p + 1, 1, accs)
        return accs

    accs = lax.fori_loop(0, NB // 2, pair, accs)

    for h in range(8):
        obuf[pl.ds(h * SC_L, SC_L)] = accs[2 * h]
        obuf[pl.ds((8 + h) * SC_L, SC_L)] = accs[2 * h + 1]

    pltpu.sync_copy(obuf.at[pl.ds(0, B)], outm1_hbm.at[pl.ds(wid * B, B)])
    pltpu.sync_copy(obuf.at[pl.ds(B, B)], outm2_hbm.at[pl.ds(wid * B, B)])
    pltpu.sync_copy(obuf.at[pl.ds(2 * B, 4 * SC_L)],
                    outg_hbm.at[pl.ds(wid * 4 * SC_L, 4 * SC_L)])


_sc_call = functools.partial(
    pl.kernel,
    mesh=plsc.VectorSubcoreMesh(core_axis_name="c", subcore_axis_name="s"),
    out_type=[
        jax.ShapeDtypeStruct((NW * B,), jnp.float32),
        jax.ShapeDtypeStruct((NW * B,), jnp.float32),
        jax.ShapeDtypeStruct((NW * 4 * SC_L,), jnp.float32),
    ],
    scratch_types=[
        pltpu.VMEM((4 * SC_L,), jnp.int32),
        pltpu.VMEM((T, B), jnp.float32),
        pltpu.VMEM((T, B), jnp.float32),
        pltpu.VMEM((2 * B + 4 * SC_L,), jnp.float32),
        pltpu.VMEM((4, B), jnp.float32),
        pltpu.SemaphoreType.DMA,
        pltpu.SemaphoreType.DMA,
    ],
)(_sc_body)



@jax.jit
def kernel(logits, label):
    logits_t = logits.T
    label_bcast = jnp.broadcast_to(label[:, None], (B, SC_L)).reshape(B * SC_L)
    scm1, scm2, scg = _sc_call(logits_t, label_bcast)
    tcmax = _tc_call(logits_t, label)

    loglab = jnp.max(scg.reshape(B, SC_L), axis=1)
    m1s = scm1.reshape(NW, B)
    m2s = scm2.reshape(NW, B)
    m1 = jnp.full((B,), _NEG_INF, jnp.float32)
    m2 = jnp.full((B,), _NEG_INF, jnp.float32)
    for w in range(NW):
        x = m1s[w]
        m2 = jnp.maximum(m2, jnp.minimum(m1, x))
        m1 = jnp.maximum(m1, x)
    m2 = jnp.maximum(m2, jnp.max(m2s, axis=0))
    m_sc = jnp.where(jnp.logical_or(label < C0, loglab < m1), m1, m2)
    max_other = jnp.maximum(tcmax, m_sc)
    return -jnp.maximum(loglab - max_other, 0.0)

# --- scband reference (transcript-rebuilt; emitter-appended) ---
"""Pipeline reference for scband-margin-loss-45526653337924 (READ-ONLY COPY).

The authoritative reference and input builder live on the scoring server;
editing this copy changes nothing except your own understanding.
"""

import jax, jax.numpy as jnp
import numpy as np

MARGIN = 0.0

def setup_inputs(seed: int = 0) -> dict:
    key = jax.random.key(seed)
    k1, k2 = jax.random.split(key)
    logits = jax.random.normal(k1, (128, 100000), dtype=jnp.float32)
    label = jax.random.randint(k2, (128,), 0, 100000, dtype=jnp.int32)
    return {"logits": logits, "label": label}

def reference(logits, label):
    B = logits.shape[0]
    rows = jnp.arange(B)
    # gather the logit at the true label position (per-row gather)
    logit_label = logits[rows, label]
    # mask out the label position (equivalent to the uint8 flag mask in torch)
    masked = logits.at[rows, label].set(-jnp.inf)
    # max over all non-label logits
    max_other = jnp.max(masked, axis=1)
    diff = logit_label - max_other
    out = -jax.nn.relu(diff + MARGIN) + MARGIN
    return out

if __name__ == "__main__":
    import jax
    _d = setup_inputs()
    print(jax.jit(kernel)(*tuple(_d.values())))

</pallas_src>

<mosaic_0001>
#map = affine_map<(d0, d1) -> (0, 0)>
#map1 = affine_map<(d0, d1) -> (0)>
module attributes {stable_mosaic.version = 14 : i64} {
  func.func @_sc_body(%arg0: i32, %arg1: i32, %arg2: memref<100000x128xf32, #tpu.memory_space<hbm>>, %arg3: memref<2048xi32, #tpu.memory_space<hbm>>, %arg4: memref<4096xf32, #tpu.memory_space<hbm>>, %arg5: memref<4096xf32, #tpu.memory_space<hbm>>, %arg6: memref<2048xf32, #tpu.memory_space<hbm>>, %arg7: memref<64xi32, #tpu.memory_space<vmem>>, %arg8: memref<80x128xf32, #tpu.memory_space<vmem>>, %arg9: memref<80x128xf32, #tpu.memory_space<vmem>>, %arg10: memref<320xf32, #tpu.memory_space<vmem>>, %arg11: memref<4x128xf32, #tpu.memory_space<vmem>>, %arg12: memref<!tpu.dma_semaphore, #tpu.memory_space<semaphore_mem>>, %arg13: memref<!tpu.dma_semaphore, #tpu.memory_space<semaphore_mem>>) attributes {dimension_semantics = [#tpu.dimension_semantics<core_parallel>, #tpu.dimension_semantics<subcore_parallel>], iteration_bounds = array<i64: 2, 16>, scalar_prefetch = 0 : i64, scratch_operands = 7 : i64, tpu.core_type = #tpu.core_type<sc_vector_subcore>, window_params = [{transform_indices = #map}, {transform_indices = #map1}, {transform_indices = #map1}, {transform_indices = #map1}, {transform_indices = #map1}]} {
    %mul3A = arith.constant 2 : i32
    %mul3A_0 = arith.muli %arg1, %mul3A : i32
    %add3A = arith.addi %mul3A_0, %arg0 : i32
    %mul3A_1 = arith.constant 640 : i32
    %mul3A_2 = arith.muli %add3A, %mul3A_1 : i32
    %add3A_3 = arith.constant 79520 : i32
    %add3A_4 = arith.addi %add3A_3, %mul3A_2 : i32
    %broadcast_in_dim3A = arith.constant 0xFF800000 : f32
    %broadcast_in_dim3A_5 = vector.broadcast %broadcast_in_dim3A : f32 to vector<16xf32>
    %iota3A = tpu.iota {dimensions = array<i32: 0>} : vector<16xi32>
    %mul3A_6 = arith.constant 4 : i32
    %mul3A_7 = arith.muli %add3A, %mul3A_6 : i32
    %mul3A_8 = arith.constant 16 : i32
    %mul3A_9 = arith.muli %mul3A_7, %mul3A_8 : i32
    "tpu.region"() ({
      %run_scoped3A = tpu.sem_alloc : memref<!tpu.dma_semaphore, #tpu.memory_space<semaphore_mem>>
      %dma_start3A_330 = tpu.memref_slice %arg3[%mul3A_9] : memref<2048xi32, #tpu.memory_space<hbm>> -> memref<64xi32, #tpu.memory_space<hbm>>
      %dma_start3A_331 = tpu.memref_slice %arg3[%mul3A_9] : memref<2048xi32, #tpu.memory_space<hbm>> -> memref<64xi32, #tpu.memory_space<hbm>>
      tpu.enqueue_dma source(%dma_start3A_331 : memref<64xi32, #tpu.memory_space<hbm>>) target(%arg7 : memref<64xi32, #tpu.memory_space<vmem>>) target_semaphore(%run_scoped3A : memref<!tpu.dma_semaphore, #tpu.memory_space<semaphore_mem>>)
      %dma_wait3A = tpu.memref_slice %arg3[%mul3A_9] : memref<2048xi32, #tpu.memory_space<hbm>> -> memref<64xi32, #tpu.memory_space<hbm>>
      %dma_wait3A_332 = tpu.memref_slice %arg3[%mul3A_9] : memref<2048xi32, #tpu.memory_space<hbm>> -> memref<64xi32, #tpu.memory_space<hbm>>
      tpu.wait_dma2 semaphore(%run_scoped3A : memref<!tpu.dma_semaphore, #tpu.memory_space<semaphore_mem>>) src(%dma_wait3A_332 : memref<64xi32, #tpu.memory_space<hbm>>) dst(%arg7 : memref<64xi32, #tpu.memory_space<vmem>>)
      tpu.yield
    }) : () -> ()
    %get3A = arith.constant 0 : index
    %get3A_10 = tpu.vector_load %arg7[%get3A] {strides = array<i32>} : memref<64xi32, #tpu.memory_space<vmem>>, vector<16xi32>,
    %get3A_11 = vector.shape_cast %get3A_10 : vector<16xi32> to vector<16xi32>
    %slice3A = vector.extract_strided_slice %get3A_11 {offsets = [0], sizes = [1], strides = [1]} : vector<16xi32> to vector<1xi32>
    %squeeze3A = vector.extract %slice3A[0] : i32 from vector<1xi32>
    %mul3A_12 = arith.constant 4 : i32
    %mul3A_13 = arith.muli %add3A, %mul3A_12 : i32
    %add3A_14 = arith.constant 0 : i32
    %add3A_15 = arith.addi %mul3A_13, %add3A_14 : i32
    %jit3A = arith.constant 16 : i32
    %div3A = arith.divsi %add3A_15, %jit3A : i32
    %sign3A = arith.constant 0 : i32
    %sign3A_16 = arith.cmpi sgt, %add3A_15, %sign3A : i32
    %sign3A_17 = arith.extui %sign3A_16 : i1 to i32
    %sign3A_18 = arith.constant 0 : i32
    %sign3A_19 = arith.cmpi slt, %add3A_15, %sign3A_18 : i32
    %sign3A_20 = arith.extui %sign3A_19 : i1 to i32
    %sign3A_21 = arith.subi %sign3A_17, %sign3A_20 : i32
    %sign3A_22 = arith.constant 0 : i32
    %sign3A_23 = arith.cmpi sgt, %jit3A, %sign3A_22 : i32
    %sign3A_24 = arith.extui %sign3A_23 : i1 to i32
    %sign3A_25 = arith.constant 0 : i32
    %sign3A_26 = arith.cmpi slt, %jit3A, %sign3A_25 : i32
    %sign3A_27 = arith.extui %sign3A_26 : i1 to i32
    %sign3A_28 = arith.subi %sign3A_24, %sign3A_27 : i32
    %ne3A = arith.cmpi ne, %sign3A_21, %sign3A_28 : i32
    %rem3A = arith.remsi %add3A_15, %jit3A : i32
    %ne3A_29 = arith.constant 0 : i32
    %ne3A_30 = arith.cmpi ne, %rem3A, %ne3A_29 : i32
    %and3A = arith.andi %ne3A, %ne3A_30 : i1
    %sub3A = arith.constant 1 : i32
    %sub3A_31 = arith.subi %div3A, %sub3A : i32
    %select_n3A = arith.select %and3A, %sub3A_31, %div3A : i32
    %mul3A_32 = arith.constant 16 : i32
    %mul3A_33 = arith.muli %select_n3A, %mul3A_32 : i32
    "tpu.region"() ({
      %run_scoped3A = tpu.sem_alloc : memref<!tpu.dma_semaphore, #tpu.memory_space<semaphore_mem>>
      %dma_start3A_330 = arith.constant 0 : i32
      %dma_start3A_331 = arith.constant 0 : i32
      %dma_start3A_332 = tpu.memref_slice %arg11[%dma_start3A_330, %dma_start3A_331] : memref<4x128xf32, #tpu.memory_space<vmem>> -> memref<1x128xf32, #tpu.memory_space<vmem>>
      %dma_start3A_333 = arith.constant 0 : i32
      %dma_start3A_334 = tpu.memref_slice %arg2[%squeeze3A, %dma_start3A_333] : memref<100000x128xf32, #tpu.memory_space<hbm>> -> memref<1x128xf32, #tpu.memory_space<hbm>>
      %dma_start3A_335 = arith.constant 0 : i32
      %dma_start3A_336 = arith.constant 0 : i32
      %dma_start3A_337 = tpu.memref_slice %arg11[%dma_start3A_335, %dma_start3A_336] : memref<4x128xf32, #tpu.memory_space<vmem>> -> memref<1x128xf32, #tpu.memory_space<vmem>>
      %dma_start3A_338 = arith.constant 0 : i32
      %dma_start3A_339 = tpu.memref_slice %arg2[%squeeze3A, %dma_start3A_338] : memref<100000x128xf32, #tpu.memory_space<hbm>> -> memref<1x128xf32, #tpu.memory_space<hbm>>
      tpu.enqueue_dma source(%dma_start3A_339 : memref<1x128xf32, #tpu.memory_space<hbm>>) target(%dma_start3A_337 : memref<1x128xf32, #tpu.memory_space<vmem>>) target_semaphore(%run_scoped3A : memref<!tpu.dma_semaphore, #tpu.memory_space<semaphore_mem>>)
      %dma_wait3A = arith.constant 0 : i32
      %dma_wait3A_340 = arith.constant 0 : i32
      %dma_wait3A_341 = tpu.memref_slice %arg11[%dma_wait3A, %dma_wait3A_340] : memref<4x128xf32, #tpu.memory_space<vmem>> -> memref<1x128xf32, #tpu.memory_space<vmem>>
      %dma_wait3A_342 = arith.constant 0 : i32
      %dma_wait3A_343 = tpu.memref_slice %arg2[%squeeze3A, %dma_wait3A_342] : memref<100000x128xf32, #tpu.memory_space<hbm>> -> memref<1x128xf32, #tpu.memory_space<hbm>>
      %dma_wait3A_344 = arith.constant 0 : i32
      %dma_wait3A_345 = arith.constant 0 : i32
      %dma_wait3A_346 = tpu.memref_slice %arg11[%dma_wait3A_344, %dma_wait3A_345] : memref<4x128xf32, #tpu.memory_space<vmem>> -> memref<1x128xf32, #tpu.memory_space<vmem>>
      %dma_wait3A_347 = arith.constant 0 : i32
      %dma_wait3A_348 = tpu.memref_slice %arg2[%squeeze3A, %dma_wait3A_347] : memref<100000x128xf32, #tpu.memory_space<hbm>> -> memref<1x128xf32, #tpu.memory_space<hbm>>
      tpu.wait_dma2 semaphore(%run_scoped3A : memref<!tpu.dma_semaphore, #tpu.memory_space<semaphore_mem>>) src(%dma_wait3A_348 : memref<1x128xf32, #tpu.memory_space<hbm>>) dst(%dma_wait3A_346 : memref<1x128xf32, #tpu.memory_space<vmem>>)
      tpu.yield
    }) : () -> ()
    %get3A_34 = arith.constant 0 : i32
    %get3A_35 = arith.index_cast %get3A_34 : i32 to index
    %get3A_36 = arith.index_cast %mul3A_33 : i32 to index
    %get3A_37 = tpu.vector_load %arg11[%get3A_35, %get3A_36] {strides = array<i32>} : memref<4x128xf32, #tpu.memory_space<vmem>>, vector<1x16xf32>,
    %get3A_38 = vector.shape_cast %get3A_37 : vector<1x16xf32> to vector<16xf32>
    %jit3A_39 = arith.constant 16 : i32
    %eq3A = arith.constant 0 : i32
    %eq3A_40 = arith.cmpi eq, %jit3A_39, %eq3A : i32
    %jit3A_41 = arith.constant 1 : i32
    %select_n3A_42 = arith.select %eq3A_40, %jit3A_41, %jit3A_39 : i32
    %rem3A_43 = arith.remsi %add3A_15, %select_n3A_42 : i32
    %ne3A_44 = arith.constant 0 : i32
    %ne3A_45 = arith.cmpi ne, %rem3A_43, %ne3A_44 : i32
    %lt3A = arith.constant 0 : i32
    %lt3A_46 = arith.cmpi slt, %rem3A_43, %lt3A : i32
    %lt3A_47 = arith.constant 0 : i32
    %lt3A_48 = arith.cmpi slt, %select_n3A_42, %lt3A_47 : i32
    %ne3A_49 = arith.xori %lt3A_46, %lt3A_48 : i1
    %and3A_50 = arith.andi %ne3A_49, %ne3A_45 : i1
    %add3A_51 = arith.addi %rem3A_43, %select_n3A_42 : i32
    %select_n3A_52 = arith.select %and3A_50, %add3A_51, %rem3A_43 : i32
    %eq3A_53 = vector.broadcast %select_n3A_52 : i32 to vector<16xi32>
    %eq3A_54 = arith.cmpi eq, %iota3A, %eq3A_53 : vector<16xi32>
    %select_n3A_55 = arith.select %eq3A_54, %get3A_38, %broadcast_in_dim3A_5 : vector<16xi1>, vector<16xf32>
    %swap3A = arith.constant 256 : index
    %swap3A_56 = tpu.vector_load %arg10[%swap3A] {strides = array<i32>} : memref<320xf32, #tpu.memory_space<vmem>>, vector<16xf32>,
    %swap3A_57 = vector.shape_cast %swap3A_56 : vector<16xf32> to vector<16xf32>
    %swap3A_58 = vector.shape_cast %select_n3A_55 : vector<16xf32> to vector<16xf32>
    tpu.vector_store %arg10[%swap3A], %swap3A_58 {strides = array<i32>} : memref<320xf32, #tpu.memory_space<vmem>>, vector<16xf32>,
    %get3A_59 = arith.constant 16 : index
    %get3A_60 = tpu.vector_load %arg7[%get3A_59] {strides = array<i32>} : memref<64xi32, #tpu.memory_space<vmem>>, vector<16xi32>,
    %get3A_61 = vector.shape_cast %get3A_60 : vector<16xi32> to vector<16xi32>
    %slice3A_62 = vector.extract_strided_slice %get3A_61 {offsets = [0], sizes = [1], strides = [1]} : vector<16xi32> to vector<1xi32>
    %squeeze3A_63 = vector.extract %slice3A_62[0] : i32 from vector<1xi32>
    %mul3A_64 = arith.constant 4 : i32
    %mul3A_65 = arith.muli %add3A, %mul3A_64 : i32
    %add3A_66 = arith.constant 1 : i32
    %add3A_67 = arith.addi %mul3A_65, %add3A_66 : i32
    %jit3A_68 = arith.constant 16 : i32
    %div3A_69 = arith.divsi %add3A_67, %jit3A_68 : i32
    %sign3A_70 = arith.constant 0 : i32
    %sign3A_71 = arith.cmpi sgt, %add3A_67, %sign3A_70 : i32
    %sign3A_72 = arith.extui %sign3A_71 : i1 to i32
    %sign3A_73 = arith.constant 0 : i32
    %sign3A_74 = arith.cmpi slt, %add3A_67, %sign3A_73 : i32
    %sign3A_75 = arith.extui %sign3A_74 : i1 to i32
    %sign3A_76 = arith.subi %sign3A_72, %sign3A_75 : i32
    %sign3A_77 = arith.constant 0 : i32
    %sign3A_78 = arith.cmpi sgt, %jit3A_68, %sign3A_77 : i32
    %sign3A_79 = arith.extui %sign3A_78 : i1 to i32
    %sign3A_80 = arith.constant 0 : i32
    %sign3A_81 = arith.cmpi slt, %jit3A_68, %sign3A_80 : i32
    %sign3A_82 = arith.extui %sign3A_81 : i1 to i32
    %sign3A_83 = arith.subi %sign3A_79, %sign3A_82 : i32
    %ne3A_84 = arith.cmpi ne, %sign3A_76, %sign3A_83 : i32
    %rem3A_85 = arith.remsi %add3A_67, %jit3A_68 : i32
    %ne3A_86 = arith.constant 0 : i32
    %ne3A_87 = arith.cmpi ne, %rem3A_85, %ne3A_86 : i32
    %and3A_88 = arith.andi %ne3A_84, %ne3A_87 : i1
    %sub3A_89 = arith.constant 1 : i32
    %sub3A_90 = arith.subi %div3A_69, %sub3A_89 : i32
    %select_n3A_91 = arith.select %and3A_88, %sub3A_90, %div3A_69 : i32
    %mul3A_92 = arith.constant 16 : i32
    %mul3A_93 = arith.muli %select_n3A_91, %mul3A_92 : i32
    "tpu.region"() ({
      %run_scoped3A = tpu.sem_alloc : memref<!tpu.dma_semaphore, #tpu.memory_space<semaphore_mem>>
      %dma_start3A_330 = arith.constant 1 : i32
      %dma_start3A_331 = arith.constant 0 : i32
      %dma_start3A_332 = tpu.memref_slice %arg11[%dma_start3A_330, %dma_start3A_331] : memref<4x128xf32, #tpu.memory_space<vmem>> -> memref<1x128xf32, #tpu.memory_space<vmem>>
      %dma_start3A_333 = arith.constant 0 : i32
      %dma_start3A_334 = tpu.memref_slice %arg2[%squeeze3A_63, %dma_start3A_333] : memref<100000x128xf32, #tpu.memory_space<hbm>> -> memref<1x128xf32, #tpu.memory_space<hbm>>
      %dma_start3A_335 = arith.constant 1 : i32
      %dma_start3A_336 = arith.constant 0 : i32
      %dma_start3A_337 = tpu.memref_slice %arg11[%dma_start3A_335, %dma_start3A_336] : memref<4x128xf32, #tpu.memory_space<vmem>> -> memref<1x128xf32, #tpu.memory_space<vmem>>
      %dma_start3A_338 = arith.constant 0 : i32
      %dma_start3A_339 = tpu.memref_slice %arg2[%squeeze3A_63, %dma_start3A_338] : memref<100000x128xf32, #tpu.memory_space<hbm>> -> memref<1x128xf32, #tpu.memory_space<hbm>>
      tpu.enqueue_dma source(%dma_start3A_339 : memref<1x128xf32, #tpu.memory_space<hbm>>) target(%dma_start3A_337 : memref<1x128xf32, #tpu.memory_space<vmem>>) target_semaphore(%run_scoped3A : memref<!tpu.dma_semaphore, #tpu.memory_space<semaphore_mem>>)
      %dma_wait3A = arith.constant 1 : i32
      %dma_wait3A_340 = arith.constant 0 : i32
      %dma_wait3A_341 = tpu.memref_slice %arg11[%dma_wait3A, %dma_wait3A_340] : memref<4x128xf32, #tpu.memory_space<vmem>> -> memref<1x128xf32, #tpu.memory_space<vmem>>
      %dma_wait3A_342 = arith.constant 0 : i32
      %dma_wait3A_343 = tpu.memref_slice %arg2[%squeeze3A_63, %dma_wait3A_342] : memref<100000x128xf32, #tpu.memory_space<hbm>> -> memref<1x128xf32, #tpu.memory_space<hbm>>
      %dma_wait3A_344 = arith.constant 1 : i32
      %dma_wait3A_345 = arith.constant 0 : i32
      %dma_wait3A_346 = tpu.memref_slice %arg11[%dma_wait3A_344, %dma_wait3A_345] : memref<4x128xf32, #tpu.memory_space<vmem>> -> memref<1x128xf32, #tpu.memory_space<vmem>>
      %dma_wait3A_347 = arith.constant 0 : i32
      %dma_wait3A_348 = tpu.memref_slice %arg2[%squeeze3A_63, %dma_wait3A_347] : memref<100000x128xf32, #tpu.memory_space<hbm>> -> memref<1x128xf32, #tpu.memory_space<hbm>>
      tpu.wait_dma2 semaphore(%run_scoped3A : memref<!tpu.dma_semaphore, #tpu.memory_space<semaphore_mem>>) src(%dma_wait3A_348 : memref<1x128xf32, #tpu.memory_space<hbm>>) dst(%dma_wait3A_346 : memref<1x128xf32, #tpu.memory_space<vmem>>)
      tpu.yield
    }) : () -> ()
    %get3A_94 = arith.constant 1 : i32
    %get3A_95 = arith.index_cast %get3A_94 : i32 to index
    %get3A_96 = arith.index_cast %mul3A_93 : i32 to index
    %get3A_97 = tpu.vector_load %arg11[%get3A_95, %get3A_96] {strides = array<i32>} : memref<4x128xf32, #tpu.memory_space<vmem>>, vector<1x16xf32>,
    %get3A_98 = vector.shape_cast %get3A_97 : vector<1x16xf32> to vector<16xf32>
    %jit3A_99 = arith.constant 16 : i32
    %eq3A_100 = arith.constant 0 : i32
    %eq3A_101 = arith.cmpi eq, %jit3A_99, %eq3A_100 : i32
    %jit3A_102 = arith.constant 1 : i32
    %select_n3A_103 = arith.select %eq3A_101, %jit3A_102, %jit3A_99 : i32
    %rem3A_104 = arith.remsi %add3A_67, %select_n3A_103 : i32
    %ne3A_105 = arith.constant 0 : i32
    %ne3A_106 = arith.cmpi ne, %rem3A_104, %ne3A_105 : i32
    %lt3A_107 = arith.constant 0 : i32
    %lt3A_108 = arith.cmpi slt, %rem3A_104, %lt3A_107 : i32
    %lt3A_109 = arith.constant 0 : i32
    %lt3A_110 = arith.cmpi slt, %select_n3A_103, %lt3A_109 : i32
    %ne3A_111 = arith.xori %lt3A_108, %lt3A_110 : i1
    %and3A_112 = arith.andi %ne3A_111, %ne3A_106 : i1
    %add3A_113 = arith.addi %rem3A_104, %select_n3A_103 : i32
    %select_n3A_114 = arith.select %and3A_112, %add3A_113, %rem3A_104 : i32
    %eq3A_115 = vector.broadcast %select_n3A_114 : i32 to vector<16xi32>
    %eq3A_116 = arith.cmpi eq, %iota3A, %eq3A_115 : vector<16xi32>
    %select_n3A_117 = arith.select %eq3A_116, %get3A_98, %broadcast_in_dim3A_5 : vector<16xi1>, vector<16xf32>
    %swap3A_118 = arith.constant 272 : index
    %swap3A_119 = tpu.vector_load %arg10[%swap3A_118] {strides = array<i32>} : memref<320xf32, #tpu.memory_space<vmem>>, vector<16xf32>,
    %swap3A_120 = vector.shape_cast %swap3A_119 : vector<16xf32> to vector<16xf32>
    %swap3A_121 = vector.shape_cast %select_n3A_117 : vector<16xf32> to vector<16xf32>
    tpu.vector_store %arg10[%swap3A_118], %swap3A_121 {strides = array<i32>} : memref<320xf32, #tpu.memory_space<vmem>>, vector<16xf32>,
    %get3A_122 = arith.constant 32 : index
    %get3A_123 = tpu.vector_load %arg7[%get3A_122] {strides = array<i32>} : memref<64xi32, #tpu.memory_space<vmem>>, vector<16xi32>,
    %get3A_124 = vector.shape_cast %get3A_123 : vector<16xi32> to vector<16xi32>
    %slice3A_125 = vector.extract_strided_slice %get3A_124 {offsets = [0], sizes = [1], strides = [1]} : vector<16xi32> to vector<1xi32>
    %squeeze3A_126 = vector.extract %slice3A_125[0] : i32 from vector<1xi32>
    %mul3A_127 = arith.constant 4 : i32
    %mul3A_128 = arith.muli %add3A, %mul3A_127 : i32
    %add3A_129 = arith.constant 2 : i32
    %add3A_130 = arith.addi %mul3A_128, %add3A_129 : i32
    %jit3A_131 = arith.constant 16 : i32
    %div3A_132 = arith.divsi %add3A_130, %jit3A_131 : i32
    %sign3A_133 = arith.constant 0 : i32
    %sign3A_134 = arith.cmpi sgt, %add3A_130, %sign3A_133 : i32
    %sign3A_135 = arith.extui %sign3A_134 : i1 to i32
    %sign3A_136 = arith.constant 0 : i32
    %sign3A_137 = arith.cmpi slt, %add3A_130, %sign3A_136 : i32
    %sign3A_138 = arith.extui %sign3A_137 : i1 to i32
    %sign3A_139 = arith.subi %sign3A_135, %sign3A_138 : i32
    %sign3A_140 = arith.constant 0 : i32
    %sign3A_141 = arith.cmpi sgt, %jit3A_131, %sign3A_140 : i32
    %sign3A_142 = arith.extui %sign3A_141 : i1 to i32
    %sign3A_143 = arith.constant 0 : i32
    %sign3A_144 = arith.cmpi slt, %jit3A_131, %sign3A_143 : i32
    %sign3A_145 = arith.extui %sign3A_144 : i1 to i32
    %sign3A_146 = arith.subi %sign3A_142, %sign3A_145 : i32
    %ne3A_147 = arith.cmpi ne, %sign3A_139, %sign3A_146 : i32
    %rem3A_148 = arith.remsi %add3A_130, %jit3A_131 : i32
    %ne3A_149 = arith.constant 0 : i32
    %ne3A_150 = arith.cmpi ne, %rem3A_148, %ne3A_149 : i32
    %and3A_151 = arith.andi %ne3A_147, %ne3A_150 : i1
    %sub3A_152 = arith.constant 1 : i32
    %sub3A_153 = arith.subi %div3A_132, %sub3A_152 : i32
    %select_n3A_154 = arith.select %and3A_151, %sub3A_153, %div3A_132 : i32
    %mul3A_155 = arith.constant 16 : i32
    %mul3A_156 = arith.muli %select_n3A_154, %mul3A_155 : i32
    "tpu.region"() ({
      %run_scoped3A = tpu.sem_alloc : memref<!tpu.dma_semaphore, #tpu.memory_space<semaphore_mem>>
      %dma_start3A_330 = arith.constant 2 : i32
      %dma_start3A_331 = arith.constant 0 : i32
      %dma_start3A_332 = tpu.memref_slice %arg11[%dma_start3A_330, %dma_start3A_331] : memref<4x128xf32, #tpu.memory_space<vmem>> -> memref<1x128xf32, #tpu.memory_space<vmem>>
      %dma_start3A_333 = arith.constant 0 : i32
      %dma_start3A_334 = tpu.memref_slice %arg2[%squeeze3A_126, %dma_start3A_333] : memref<100000x128xf32, #tpu.memory_space<hbm>> -> memref<1x128xf32, #tpu.memory_space<hbm>>
      %dma_start3A_335 = arith.constant 2 : i32
      %dma_start3A_336 = arith.constant 0 : i32
      %dma_start3A_337 = tpu.memref_slice %arg11[%dma_start3A_335, %dma_start3A_336] : memref<4x128xf32, #tpu.memory_space<vmem>> -> memref<1x128xf32, #tpu.memory_space<vmem>>
      %dma_start3A_338 = arith.constant 0 : i32
      %dma_start3A_339 = tpu.memref_slice %arg2[%squeeze3A_126, %dma_start3A_338] : memref<100000x128xf32, #tpu.memory_space<hbm>> -> memref<1x128xf32, #tpu.memory_space<hbm>>
      tpu.enqueue_dma source(%dma_start3A_339 : memref<1x128xf32, #tpu.memory_space<hbm>>) target(%dma_start3A_337 : memref<1x128xf32, #tpu.memory_space<vmem>>) target_semaphore(%run_scoped3A : memref<!tpu.dma_semaphore, #tpu.memory_space<semaphore_mem>>)
      %dma_wait3A = arith.constant 2 : i32
      %dma_wait3A_340 = arith.constant 0 : i32
      %dma_wait3A_341 = tpu.memref_slice %arg11[%dma_wait3A, %dma_wait3A_340] : memref<4x128xf32, #tpu.memory_space<vmem>> -> memref<1x128xf32, #tpu.memory_space<vmem>>
      %dma_wait3A_342 = arith.constant 0 : i32
      %dma_wait3A_343 = tpu.memref_slice %arg2[%squeeze3A_126, %dma_wait3A_342] : memref<100000x128xf32, #tpu.memory_space<hbm>> -> memref<1x128xf32, #tpu.memory_space<hbm>>
      %dma_wait3A_344 = arith.constant 2 : i32
      %dma_wait3A_345 = arith.constant 0 : i32
      %dma_wait3A_346 = tpu.memref_slice %arg11[%dma_wait3A_344, %dma_wait3A_345] : memref<4x128xf32, #tpu.memory_space<vmem>> -> memref<1x128xf32, #tpu.memory_space<vmem>>
      %dma_wait3A_347 = arith.constant 0 : i32
      %dma_wait3A_348 = tpu.memref_slice %arg2[%squeeze3A_126, %dma_wait3A_347] : memref<100000x128xf32, #tpu.memory_space<hbm>> -> memref<1x128xf32, #tpu.memory_space<hbm>>
      tpu.wait_dma2 semaphore(%run_scoped3A : memref<!tpu.dma_semaphore, #tpu.memory_space<semaphore_mem>>) src(%dma_wait3A_348 : memref<1x128xf32, #tpu.memory_space<hbm>>) dst(%dma_wait3A_346 : memref<1x128xf32, #tpu.memory_space<vmem>>)
      tpu.yield
    }) : () -> ()
    %get3A_157 = arith.constant 2 : i32
    %get3A_158 = arith.index_cast %get3A_157 : i32 to index
    %get3A_159 = arith.index_cast %mul3A_156 : i32 to index
    %get3A_160 = tpu.vector_load %arg11[%get3A_158, %get3A_159] {strides = array<i32>} : memref<4x128xf32, #tpu.memory_space<vmem>>, vector<1x16xf32>,
    %get3A_161 = vector.shape_cast %get3A_160 : vector<1x16xf32> to vector<16xf32>
    %jit3A_162 = arith.constant 16 : i32
    %eq3A_163 = arith.constant 0 : i32
    %eq3A_164 = arith.cmpi eq, %jit3A_162, %eq3A_163 : i32
    %jit3A_165 = arith.constant 1 : i32
    %select_n3A_166 = arith.select %eq3A_164, %jit3A_165, %jit3A_162 : i32
    %rem3A_167 = arith.remsi %add3A_130, %select_n3A_166 : i32
    %ne3A_168 = arith.constant 0 : i32
    %ne3A_169 = arith.cmpi ne, %rem3A_167, %ne3A_168 : i32
    %lt3A_170 = arith.constant 0 : i32
    %lt3A_171 = arith.cmpi slt, %rem3A_167, %lt3A_170 : i32
    %lt3A_172 = arith.constant 0 : i32
    %lt3A_173 = arith.cmpi slt, %select_n3A_166, %lt3A_172 : i32
    %ne3A_174 = arith.xori %lt3A_171, %lt3A_173 : i1
    %and3A_175 = arith.andi %ne3A_174, %ne3A_169 : i1
    %add3A_176 = arith.addi %rem3A_167, %select_n3A_166 : i32
    %select_n3A_177 = arith.select %and3A_175, %add3A_176, %rem3A_167 : i32
    %eq3A_178 = vector.broadcast %select_n3A_177 : i32 to vector<16xi32>
    %eq3A_179 = arith.cmpi eq, %iota3A, %eq3A_178 : vector<16xi32>
    %select_n3A_180 = arith.select %eq3A_179, %get3A_161, %broadcast_in_dim3A_5 : vector<16xi1>, vector<16xf32>
    %swap3A_181 = arith.constant 288 : index
    %swap3A_182 = tpu.vector_load %arg10[%swap3A_181] {strides = array<i32>} : memref<320xf32, #tpu.memory_space<vmem>>, vector<16xf32>,
    %swap3A_183 = vector.shape_cast %swap3A_182 : vector<16xf32> to vector<16xf32>
    %swap3A_184 = vector.shape_cast %select_n3A_180 : vector<16xf32> to vector<16xf32>
    tpu.vector_store %arg10[%swap3A_181], %swap3A_184 {strides = array<i32>} : memref<320xf32, #tpu.memory_space<vmem>>, vector<16xf32>,
    %get3A_185 = arith.constant 48 : index
    %get3A_186 = tpu.vector_load %arg7[%get3A_185] {strides = array<i32>} : memref<64xi32, #tpu.memory_space<vmem>>, vector<16xi32>,
    %get3A_187 = vector.shape_cast %get3A_186 : vector<16xi32> to vector<16xi32>
    %slice3A_188 = vector.extract_strided_slice %get3A_187 {offsets = [0], sizes = [1], strides = [1]} : vector<16xi32> to vector<1xi32>
    %squeeze3A_189 = vector.extract %slice3A_188[0] : i32 from vector<1xi32>
    %mul3A_190 = arith.constant 4 : i32
    %mul3A_191 = arith.muli %add3A, %mul3A_190 : i32
    %add3A_192 = arith.constant 3 : i32
    %add3A_193 = arith.addi %mul3A_191, %add3A_192 : i32
    %jit3A_194 = arith.constant 16 : i32
    %div3A_195 = arith.divsi %add3A_193, %jit3A_194 : i32
    %sign3A_196 = arith.constant 0 : i32
    %sign3A_197 = arith.cmpi sgt, %add3A_193, %sign3A_196 : i32
    %sign3A_198 = arith.extui %sign3A_197 : i1 to i32
    %sign3A_199 = arith.constant 0 : i32
    %sign3A_200 = arith.cmpi slt, %add3A_193, %sign3A_199 : i32
    %sign3A_201 = arith.extui %sign3A_200 : i1 to i32
    %sign3A_202 = arith.subi %sign3A_198, %sign3A_201 : i32
    %sign3A_203 = arith.constant 0 : i32
    %sign3A_204 = arith.cmpi sgt, %jit3A_194, %sign3A_203 : i32
    %sign3A_205 = arith.extui %sign3A_204 : i1 to i32
    %sign3A_206 = arith.constant 0 : i32
    %sign3A_207 = arith.cmpi slt, %jit3A_194, %sign3A_206 : i32
    %sign3A_208 = arith.extui %sign3A_207 : i1 to i32
    %sign3A_209 = arith.subi %sign3A_205, %sign3A_208 : i32
    %ne3A_210 = arith.cmpi ne, %sign3A_202, %sign3A_209 : i32
    %rem3A_211 = arith.remsi %add3A_193, %jit3A_194 : i32
    %ne3A_212 = arith.constant 0 : i32
    %ne3A_213 = arith.cmpi ne, %rem3A_211, %ne3A_212 : i32
    %and3A_214 = arith.andi %ne3A_210, %ne3A_213 : i1
    %sub3A_215 = arith.constant 1 : i32
    %sub3A_216 = arith.subi %div3A_195, %sub3A_215 : i32
    %select_n3A_217 = arith.select %and3A_214, %sub3A_216, %div3A_195 : i32
    %mul3A_218 = arith.constant 16 : i32
    %mul3A_219 = arith.muli %select_n3A_217, %mul3A_218 : i32
    "tpu.region"() ({
      %run_scoped3A = tpu.sem_alloc : memref<!tpu.dma_semaphore, #tpu.memory_space<semaphore_mem>>
      %dma_start3A_330 = arith.constant 3 : i32
      %dma_start3A_331 = arith.constant 0 : i32
      %dma_start3A_332 = tpu.memref_slice %arg11[%dma_start3A_330, %dma_start3A_331] : memref<4x128xf32, #tpu.memory_space<vmem>> -> memref<1x128xf32, #tpu.memory_space<vmem>>
      %dma_start3A_333 = arith.constant 0 : i32
      %dma_start3A_334 = tpu.memref_slice %arg2[%squeeze3A_189, %dma_start3A_333] : memref<100000x128xf32, #tpu.memory_space<hbm>> -> memref<1x128xf32, #tpu.memory_space<hbm>>
      %dma_start3A_335 = arith.constant 3 : i32
      %dma_start3A_336 = arith.constant 0 : i32
      %dma_start3A_337 = tpu.memref_slice %arg11[%dma_start3A_335, %dma_start3A_336] : memref<4x128xf32, #tpu.memory_space<vmem>> -> memref<1x128xf32, #tpu.memory_space<vmem>>
      %dma_start3A_338 = arith.constant 0 : i32
      %dma_start3A_339 = tpu.memref_slice %arg2[%squeeze3A_189, %dma_start3A_338] : memref<100000x128xf32, #tpu.memory_space<hbm>> -> memref<1x128xf32, #tpu.memory_space<hbm>>
      tpu.enqueue_dma source(%dma_start3A_339 : memref<1x128xf32, #tpu.memory_space<hbm>>) target(%dma_start3A_337 : memref<1x128xf32, #tpu.memory_space<vmem>>) target_semaphore(%run_scoped3A : memref<!tpu.dma_semaphore, #tpu.memory_space<semaphore_mem>>)
      %dma_wait3A = arith.constant 3 : i32
      %dma_wait3A_340 = arith.constant 0 : i32
      %dma_wait3A_341 = tpu.memref_slice %arg11[%dma_wait3A, %dma_wait3A_340] : memref<4x128xf32, #tpu.memory_space<vmem>> -> memref<1x128xf32, #tpu.memory_space<vmem>>
      %dma_wait3A_342 = arith.constant 0 : i32
      %dma_wait3A_343 = tpu.memref_slice %arg2[%squeeze3A_189, %dma_wait3A_342] : memref<100000x128xf32, #tpu.memory_space<hbm>> -> memref<1x128xf32, #tpu.memory_space<hbm>>
      %dma_wait3A_344 = arith.constant 3 : i32
      %dma_wait3A_345 = arith.constant 0 : i32
      %dma_wait3A_346 = tpu.memref_slice %arg11[%dma_wait3A_344, %dma_wait3A_345] : memref<4x128xf32, #tpu.memory_space<vmem>> -> memref<1x128xf32, #tpu.memory_space<vmem>>
      %dma_wait3A_347 = arith.constant 0 : i32
      %dma_wait3A_348 = tpu.memref_slice %arg2[%squeeze3A_189, %dma_wait3A_347] : memref<100000x128xf32, #tpu.memory_space<hbm>> -> memref<1x128xf32, #tpu.memory_space<hbm>>
      tpu.wait_dma2 semaphore(%run_scoped3A : memref<!tpu.dma_semaphore, #tpu.memory_space<semaphore_mem>>) src(%dma_wait3A_348 : memref<1x128xf32, #tpu.memory_space<hbm>>) dst(%dma_wait3A_346 : memref<1x128xf32, #tpu.memory_space<vmem>>)
      tpu.yield
    }) : () -> ()
    %get3A_220 = arith.constant 3 : i32
    %get3A_221 = arith.index_cast %get3A_220 : i32 to index
    %get3A_222 = arith.index_cast %mul3A_219 : i32 to index
    %get3A_223 = tpu.vector_load %arg11[%get3A_221, %get3A_222] {strides = array<i32>} : memref<4x128xf32, #tpu.memory_space<vmem>>, vector<1x16xf32>,
    %get3A_224 = vector.shape_cast %get3A_223 : vector<1x16xf32> to vector<16xf32>
    %jit3A_225 = arith.constant 16 : i32
    %eq3A_226 = arith.constant 0 : i32
    %eq3A_227 = arith.cmpi eq, %jit3A_225, %eq3A_226 : i32
    %jit3A_228 = arith.constant 1 : i32
    %select_n3A_229 = arith.select %eq3A_227, %jit3A_228, %jit3A_225 : i32
    %rem3A_230 = arith.remsi %add3A_193, %select_n3A_229 : i32
    %ne3A_231 = arith.constant 0 : i32
    %ne3A_232 = arith.cmpi ne, %rem3A_230, %ne3A_231 : i32
    %lt3A_233 = arith.constant 0 : i32
    %lt3A_234 = arith.cmpi slt, %rem3A_230, %lt3A_233 : i32
    %lt3A_235 = arith.constant 0 : i32
    %lt3A_236 = arith.cmpi slt, %select_n3A_229, %lt3A_235 : i32
    %ne3A_237 = arith.xori %lt3A_234, %lt3A_236 : i1
    %and3A_238 = arith.andi %ne3A_237, %ne3A_232 : i1
    %add3A_239 = arith.addi %rem3A_230, %select_n3A_229 : i32
    %select_n3A_240 = arith.select %and3A_238, %add3A_239, %rem3A_230 : i32
    %eq3A_241 = vector.broadcast %select_n3A_240 : i32 to vector<16xi32>
    %eq3A_242 = arith.cmpi eq, %iota3A, %eq3A_241 : vector<16xi32>
    %select_n3A_243 = arith.select %eq3A_242, %get3A_224, %broadcast_in_dim3A_5 : vector<16xi1>, vector<16xf32>
    %swap3A_244 = arith.constant 304 : index
    %swap3A_245 = tpu.vector_load %arg10[%swap3A_244] {strides = array<i32>} : memref<320xf32, #tpu.memory_space<vmem>>, vector<16xf32>,
    %swap3A_246 = vector.shape_cast %swap3A_245 : vector<16xf32> to vector<16xf32>
    %swap3A_247 = vector.shape_cast %select_n3A_243 : vector<16xf32> to vector<16xf32>
    tpu.vector_store %arg10[%swap3A_244], %swap3A_247 {strides = array<i32>} : memref<320xf32, #tpu.memory_space<vmem>>, vector<16xf32>,
    %add3A_248 = arith.constant 0 : i32
    %add3A_249 = arith.addi %add3A_4, %add3A_248 : i32
    %dma_start3A = arith.constant 0 : i32
    %dma_start3A_250 = tpu.memref_slice %arg2[%add3A_249, %dma_start3A] : memref<100000x128xf32, #tpu.memory_space<hbm>> -> memref<80x128xf32, #tpu.memory_space<hbm>>
    %dma_start3A_251 = arith.constant 0 : i32
    %dma_start3A_252 = tpu.memref_slice %arg2[%add3A_249, %dma_start3A_251] : memref<100000x128xf32, #tpu.memory_space<hbm>> -> memref<80x128xf32, #tpu.memory_space<hbm>>
    tpu.enqueue_dma source(%dma_start3A_252 : memref<80x128xf32, #tpu.memory_space<hbm>>) target(%arg8 : memref<80x128xf32, #tpu.memory_space<vmem>>) target_semaphore(%arg12 : memref<!tpu.dma_semaphore, #tpu.memory_space<semaphore_mem>>)
    %scan3A = arith.constant 0 : i32
    %scan3A_253 = arith.constant 4 : i32
    %scan3A_254 = arith.addi %scan3A, %scan3A_253 : i32
    %scan3A_255 = arith.constant 1 : i32
    %scan3A_256:16 = scf.for %scan3A_330 = %scan3A to %scan3A_254 step %scan3A_255 iter_args(%scan3A_331 = %broadcast_in_dim3A_5, %scan3A_332 = %broadcast_in_dim3A_5, %scan3A_333 = %broadcast_in_dim3A_5, %scan3A_334 = %broadcast_in_dim3A_5, %scan3A_335 = %broadcast_in_dim3A_5, %scan3A_336 = %broadcast_in_dim3A_5, %scan3A_337 = %broadcast_in_dim3A_5, %scan3A_338 = %broadcast_in_dim3A_5, %scan3A_339 = %broadcast_in_dim3A_5, %scan3A_340 = %broadcast_in_dim3A_5, %scan3A_341 = %broadcast_in_dim3A_5, %scan3A_342 = %broadcast_in_dim3A_5, %scan3A_343 = %broadcast_in_dim3A_5, %scan3A_344 = %broadcast_in_dim3A_5, %scan3A_345 = %broadcast_in_dim3A_5, %scan3A_346 = %broadcast_in_dim3A_5) -> (vector<16xf32>, vector<16xf32>, vector<16xf32>, vector<16xf32>, vector<16xf32>, vector<16xf32>, vector<16xf32>, vector<16xf32>, vector<16xf32>, vector<16xf32>, vector<16xf32>, vector<16xf32>, vector<16xf32>, vector<16xf32>, vector<16xf32>, vector<16xf32>)  : i32 {
      %mul3A_347 = arith.constant 2 : i32
      %mul3A_348 = arith.muli %mul3A_347, %scan3A_330 : i32
      %add3A_349 = arith.constant 1 : i32
      %add3A_350 = arith.addi %mul3A_348, %add3A_349 : i32
      %mul3A_351 = arith.constant 80 : i32
      %mul3A_352 = arith.muli %add3A_350, %mul3A_351 : i32
      %add3A_353 = arith.addi %add3A_4, %mul3A_352 : i32
      %dma_start3A_354 = arith.constant 0 : i32
      %dma_start3A_355 = tpu.memref_slice %arg2[%add3A_353, %dma_start3A_354] : memref<100000x128xf32, #tpu.memory_space<hbm>> -> memref<80x128xf32, #tpu.memory_space<hbm>>
      %dma_start3A_356 = arith.constant 0 : i32
      %dma_start3A_357 = tpu.memref_slice %arg2[%add3A_353, %dma_start3A_356] : memref<100000x128xf32, #tpu.memory_space<hbm>> -> memref<80x128xf32, #tpu.memory_space<hbm>>
      tpu.enqueue_dma source(%dma_start3A_357 : memref<80x128xf32, #tpu.memory_space<hbm>>) target(%arg9 : memref<80x128xf32, #tpu.memory_space<vmem>>) target_semaphore(%arg13 : memref<!tpu.dma_semaphore, #tpu.memory_space<semaphore_mem>>)
      %mul3A_358 = arith.constant 2 : i32
      %mul3A_359 = arith.muli %mul3A_358, %scan3A_330 : i32
      %mul3A_360 = arith.constant 80 : i32
      %mul3A_361 = arith.muli %mul3A_359, %mul3A_360 : i32
      %add3A_362 = arith.addi %add3A_4, %mul3A_361 : i32
      %dma_wait3A = arith.constant 0 : i32
      %dma_wait3A_363 = tpu.memref_slice %arg2[%add3A_362, %dma_wait3A] : memref<100000x128xf32, #tpu.memory_space<hbm>> -> memref<80x128xf32, #tpu.memory_space<hbm>>
      %dma_wait3A_364 = arith.constant 0 : i32
      %dma_wait3A_365 = tpu.memref_slice %arg2[%add3A_362, %dma_wait3A_364] : memref<100000x128xf32, #tpu.memory_space<hbm>> -> memref<80x128xf32, #tpu.memory_space<hbm>>
      tpu.wait_dma2 semaphore(%arg12 : memref<!tpu.dma_semaphore, #tpu.memory_space<semaphore_mem>>) src(%dma_wait3A_365 : memref<80x128xf32, #tpu.memory_space<hbm>>) dst(%arg8 : memref<80x128xf32, #tpu.memory_space<vmem>>)
      %scan3A_366 = arith.constant 0 : i32
      %scan3A_367 = arith.constant 80 : i32
      %scan3A_368 = arith.addi %scan3A_366, %scan3A_367 : i32
      %scan3A_369 = arith.constant 1 : i32
      %scan3A_370:16 = scf.for %scan3A_396 = %scan3A_366 to %scan3A_368 step %scan3A_369 iter_args(%scan3A_397 = %scan3A_331, %scan3A_398 = %scan3A_332, %scan3A_399 = %scan3A_333, %scan3A_400 = %scan3A_334, %scan3A_401 = %scan3A_335, %scan3A_402 = %scan3A_336, %scan3A_403 = %scan3A_337, %scan3A_404 = %scan3A_338, %scan3A_405 = %scan3A_339, %scan3A_406 = %scan3A_340, %scan3A_407 = %scan3A_341, %scan3A_408 = %scan3A_342, %scan3A_409 = %scan3A_343, %scan3A_410 = %scan3A_344, %scan3A_411 = %scan3A_345, %scan3A_412 = %scan3A_346) -> (vector<16xf32>, vector<16xf32>, vector<16xf32>, vector<16xf32>, vector<16xf32>, vector<16xf32>, vector<16xf32>, vector<16xf32>, vector<16xf32>, vector<16xf32>, vector<16xf32>, vector<16xf32>, vector<16xf32>, vector<16xf32>, vector<16xf32>, vector<16xf32>)  : i32 {
        %get3A_413 = arith.index_cast %scan3A_396 : i32 to index
        %get3A_414 = arith.constant 0 : index
        %get3A_415 = tpu.vector_load %arg8[%get3A_413, %get3A_414] {strides = array<i32>} : memref<80x128xf32, #tpu.memory_space<vmem>>, vector<1x16xf32>,
        %get3A_416 = vector.shape_cast %get3A_415 : vector<1x16xf32> to vector<16xf32>
        %min3A = arith.minimumf %scan3A_397, %get3A_416 : vector<16xf32>
        %max3A = arith.maximumf %scan3A_398, %min3A : vector<16xf32>
        %max3A_417 = arith.maximumf %scan3A_397, %get3A_416 : vector<16xf32>
        %get3A_418 = arith.index_cast %scan3A_396 : i32 to index
        %get3A_419 = arith.constant 16 : index
        %get3A_420 = tpu.vector_load %arg8[%get3A_418, %get3A_419] {strides = array<i32>} : memref<80x128xf32, #tpu.memory_space<vmem>>, vector<1x16xf32>,
        %get3A_421 = vector.shape_cast %get3A_420 : vector<1x16xf32> to vector<16xf32>
        %min3A_422 = arith.minimumf %scan3A_399, %get3A_421 : vector<16xf32>
        %max3A_423 = arith.maximumf %scan3A_400, %min3A_422 : vector<16xf32>
        %max3A_424 = arith.maximumf %scan3A_399, %get3A_421 : vector<16xf32>
        %get3A_425 = arith.index_cast %scan3A_396 : i32 to index
        %get3A_426 = arith.constant 32 : index
        %get3A_427 = tpu.vector_load %arg8[%get3A_425, %get3A_426] {strides = array<i32>} : memref<80x128xf32, #tpu.memory_space<vmem>>, vector<1x16xf32>,
        %get3A_428 = vector.shape_cast %get3A_427 : vector<1x16xf32> to vector<16xf32>
        %min3A_429 = arith.minimumf %scan3A_401, %get3A_428 : vector<16xf32>
        %max3A_430 = arith.maximumf %scan3A_402, %min3A_429 : vector<16xf32>
        %max3A_431 = arith.maximumf %scan3A_401, %get3A_428 : vector<16xf32>
        %get3A_432 = arith.index_cast %scan3A_396 : i32 to index
        %get3A_433 = arith.constant 48 : index
        %get3A_434 = tpu.vector_load %arg8[%get3A_432, %get3A_433] {strides = array<i32>} : memref<80x128xf32, #tpu.memory_space<vmem>>, vector<1x16xf32>,
        %get3A_435 = vector.shape_cast %get3A_434 : vector<1x16xf32> to vector<16xf32>
        %min3A_436 = arith.minimumf %scan3A_403, %get3A_435 : vector<16xf32>
        %max3A_437 = arith.maximumf %scan3A_404, %min3A_436 : vector<16xf32>
        %max3A_438 = arith.maximumf %scan3A_403, %get3A_435 : vector<16xf32>
        %get3A_439 = arith.index_cast %scan3A_396 : i32 to index
        %get3A_440 = arith.constant 64 : index
        %get3A_441 = tpu.vector_load %arg8[%get3A_439, %get3A_440] {strides = array<i32>} : memref<80x128xf32, #tpu.memory_space<vmem>>, vector<1x16xf32>,
        %get3A_442 = vector.shape_cast %get3A_441 : vector<1x16xf32> to vector<16xf32>
        %min3A_443 = arith.minimumf %scan3A_405, %get3A_442 : vector<16xf32>
        %max3A_444 = arith.maximumf %scan3A_406, %min3A_443 : vector<16xf32>
        %max3A_445 = arith.maximumf %scan3A_405, %get3A_442 : vector<16xf32>
        %get3A_446 = arith.index_cast %scan3A_396 : i32 to index
        %get3A_447 = arith.constant 80 : index
        %get3A_448 = tpu.vector_load %arg8[%get3A_446, %get3A_447] {strides = array<i32>} : memref<80x128xf32, #tpu.memory_space<vmem>>, vector<1x16xf32>,
        %get3A_449 = vector.shape_cast %get3A_448 : vector<1x16xf32> to vector<16xf32>
        %min3A_450 = arith.minimumf %scan3A_407, %get3A_449 : vector<16xf32>
        %max3A_451 = arith.maximumf %scan3A_408, %min3A_450 : vector<16xf32>
        %max3A_452 = arith.maximumf %scan3A_407, %get3A_449 : vector<16xf32>
        %get3A_453 = arith.index_cast %scan3A_396 : i32 to index
        %get3A_454 = arith.constant 96 : index
        %get3A_455 = tpu.vector_load %arg8[%get3A_453, %get3A_454] {strides = array<i32>} : memref<80x128xf32, #tpu.memory_space<vmem>>, vector<1x16xf32>,
        %get3A_456 = vector.shape_cast %get3A_455 : vector<1x16xf32> to vector<16xf32>
        %min3A_457 = arith.minimumf %scan3A_409, %get3A_456 : vector<16xf32>
        %max3A_458 = arith.maximumf %scan3A_410, %min3A_457 : vector<16xf32>
        %max3A_459 = arith.maximumf %scan3A_409, %get3A_456 : vector<16xf32>
        %get3A_460 = arith.index_cast %scan3A_396 : i32 to index
        %get3A_461 = arith.constant 112 : index
        %get3A_462 = tpu.vector_load %arg8[%get3A_460, %get3A_461] {strides = array<i32>} : memref<80x128xf32, #tpu.memory_space<vmem>>, vector<1x16xf32>,
        %get3A_463 = vector.shape_cast %get3A_462 : vector<1x16xf32> to vector<16xf32>
        %min3A_464 = arith.minimumf %scan3A_411, %get3A_463 : vector<16xf32>
        %max3A_465 = arith.maximumf %scan3A_412, %min3A_464 : vector<16xf32>
        %max3A_466 = arith.maximumf %scan3A_411, %get3A_463 : vector<16xf32>
        scf.yield %max3A_417, %max3A, %max3A_424, %max3A_423, %max3A_431, %max3A_430, %max3A_438, %max3A_437, %max3A_445, %max3A_444, %max3A_452, %max3A_451, %max3A_459, %max3A_458, %max3A_466, %max3A_465 : vector<16xf32>, vector<16xf32>, vector<16xf32>, vector<16xf32>, vector<16xf32>, vector<16xf32>, vector<16xf32>, vector<16xf32>, vector<16xf32>, vector<16xf32>, vector<16xf32>, vector<16xf32>, vector<16xf32>, vector<16xf32>, vector<16xf32>, vector<16xf32>
      }
      %scan3A_371 = arith.constant 80 : i32
      %mul3A_372 = arith.constant 2 : i32
      %mul3A_373 = arith.muli %mul3A_372, %scan3A_330 : i32
      %add3A_374 = arith.constant 2 : i32
      %add3A_375 = arith.addi %mul3A_373, %add3A_374 : i32
      %lt3A_376 = arith.constant 8 : i32
      %lt3A_377 = arith.cmpi slt, %add3A_375, %lt3A_376 : i32
      %convert_element_type3A = arith.extui %lt3A_377 : i1 to i32
      %cond3A = arith.constant 0 : i32
      %cond3A_378 = arith.cmpi ne, %convert_element_type3A, %cond3A : i32
      scf.if %cond3A_378 {
        %mul3A_396 = arith.constant 2 : i32
        %mul3A_397 = arith.muli %mul3A_396, %scan3A_330 : i32
        %add3A_398 = arith.constant 2 : i32
        %add3A_399 = arith.addi %mul3A_397, %add3A_398 : i32
        %mul3A_400 = arith.constant 80 : i32
        %mul3A_401 = arith.muli %add3A_399, %mul3A_400 : i32
        %add3A_402 = arith.addi %add3A_4, %mul3A_401 : i32
        %dma_start3A_403 = arith.constant 0 : i32
        %dma_start3A_404 = tpu.memref_slice %arg2[%add3A_402, %dma_start3A_403] : memref<100000x128xf32, #tpu.memory_space<hbm>> -> memref<80x128xf32, #tpu.memory_space<hbm>>
        %dma_start3A_405 = arith.constant 0 : i32
        %dma_start3A_406 = tpu.memref_slice %arg2[%add3A_402, %dma_start3A_405] : memref<100000x128xf32, #tpu.memory_space<hbm>> -> memref<80x128xf32, #tpu.memory_space<hbm>>
        tpu.enqueue_dma source(%dma_start3A_406 : memref<80x128xf32, #tpu.memory_space<hbm>>) target(%arg8 : memref<80x128xf32, #tpu.memory_space<vmem>>) target_semaphore(%arg12 : memref<!tpu.dma_semaphore, #tpu.memory_space<semaphore_mem>>)
      } else {
      }
      %mul3A_379 = arith.constant 2 : i32
      %mul3A_380 = arith.muli %mul3A_379, %scan3A_330 : i32
      %add3A_381 = arith.constant 1 : i32
      %add3A_382 = arith.addi %mul3A_380, %add3A_381 : i32
      %mul3A_383 = arith.constant 80 : i32
      %mul3A_384 = arith.muli %add3A_382, %mul3A_383 : i32
      %add3A_385 = arith.addi %add3A_4, %mul3A_384 : i32
      %dma_wait3A_386 = arith.constant 0 : i32
      %dma_wait3A_387 = tpu.memref_slice %arg2[%add3A_385, %dma_wait3A_386] : memref<100000x128xf32, #tpu.memory_space<hbm>> -> memref<80x128xf32, #tpu.memory_space<hbm>>
      %dma_wait3A_388 = arith.constant 0 : i32
      %dma_wait3A_389 = tpu.memref_slice %arg2[%add3A_385, %dma_wait3A_388] : memref<100000x128xf32, #tpu.memory_space<hbm>> -> memref<80x128xf32, #tpu.memory_space<hbm>>
      tpu.wait_dma2 semaphore(%arg13 : memref<!tpu.dma_semaphore, #tpu.memory_space<semaphore_mem>>) src(%dma_wait3A_389 : memref<80x128xf32, #tpu.memory_space<hbm>>) dst(%arg9 : memref<80x128xf32, #tpu.memory_space<vmem>>)
      %scan3A_390 = arith.constant 0 : i32
      %scan3A_391 = arith.constant 80 : i32
      %scan3A_392 = arith.addi %scan3A_390, %scan3A_391 : i32
      %scan3A_393 = arith.constant 1 : i32
      %scan3A_394:16 = scf.for %scan3A_396 = %scan3A_390 to %scan3A_392 step %scan3A_393 iter_args(%scan3A_397 = %scan3A_370#0, %scan3A_398 = %scan3A_370#1, %scan3A_399 = %scan3A_370#2, %scan3A_400 = %scan3A_370#3, %scan3A_401 = %scan3A_370#4, %scan3A_402 = %scan3A_370#5, %scan3A_403 = %scan3A_370#6, %scan3A_404 = %scan3A_370#7, %scan3A_405 = %scan3A_370#8, %scan3A_406 = %scan3A_370#9, %scan3A_407 = %scan3A_370#10, %scan3A_408 = %scan3A_370#11, %scan3A_409 = %scan3A_370#12, %scan3A_410 = %scan3A_370#13, %scan3A_411 = %scan3A_370#14, %scan3A_412 = %scan3A_370#15) -> (vector<16xf32>, vector<16xf32>, vector<16xf32>, vector<16xf32>, vector<16xf32>, vector<16xf32>, vector<16xf32>, vector<16xf32>, vector<16xf32>, vector<16xf32>, vector<16xf32>, vector<16xf32>, vector<16xf32>, vector<16xf32>, vector<16xf32>, vector<16xf32>)  : i32 {
        %get3A_413 = arith.index_cast %scan3A_396 : i32 to index
        %get3A_414 = arith.constant 0 : index
        %get3A_415 = tpu.vector_load %arg9[%get3A_413, %get3A_414] {strides = array<i32>} : memref<80x128xf32, #tpu.memory_space<vmem>>, vector<1x16xf32>,
        %get3A_416 = vector.shape_cast %get3A_415 : vector<1x16xf32> to vector<16xf32>
        %min3A = arith.minimumf %scan3A_397, %get3A_416 : vector<16xf32>
        %max3A = arith.maximumf %scan3A_398, %min3A : vector<16xf32>
        %max3A_417 = arith.maximumf %scan3A_397, %get3A_416 : vector<16xf32>
        %get3A_418 = arith.index_cast %scan3A_396 : i32 to index
        %get3A_419 = arith.constant 16 : index
        %get3A_420 = tpu.vector_load %arg9[%get3A_418, %get3A_419] {strides = array<i32>} : memref<80x128xf32, #tpu.memory_space<vmem>>, vector<1x16xf32>,
        %get3A_421 = vector.shape_cast %get3A_420 : vector<1x16xf32> to vector<16xf32>
        %min3A_422 = arith.minimumf %scan3A_399, %get3A_421 : vector<16xf32>
        %max3A_423 = arith.maximumf %scan3A_400, %min3A_422 : vector<16xf32>
        %max3A_424 = arith.maximumf %scan3A_399, %get3A_421 : vector<16xf32>
        %get3A_425 = arith.index_cast %scan3A_396 : i32 to index
        %get3A_426 = arith.constant 32 : index
        %get3A_427 = tpu.vector_load %arg9[%get3A_425, %get3A_426] {strides = array<i32>} : memref<80x128xf32, #tpu.memory_space<vmem>>, vector<1x16xf32>,
        %get3A_428 = vector.shape_cast %get3A_427 : vector<1x16xf32> to vector<16xf32>
        %min3A_429 = arith.minimumf %scan3A_401, %get3A_428 : vector<16xf32>
        %max3A_430 = arith.maximumf %scan3A_402, %min3A_429 : vector<16xf32>
        %max3A_431 = arith.maximumf %scan3A_401, %get3A_428 : vector<16xf32>
        %get3A_432 = arith.index_cast %scan3A_396 : i32 to index
        %get3A_433 = arith.constant 48 : index
        %get3A_434 = tpu.vector_load %arg9[%get3A_432, %get3A_433] {strides = array<i32>} : memref<80x128xf32, #tpu.memory_space<vmem>>, vector<1x16xf32>,
        %get3A_435 = vector.shape_cast %get3A_434 : vector<1x16xf32> to vector<16xf32>
        %min3A_436 = arith.minimumf %scan3A_403, %get3A_435 : vector<16xf32>
        %max3A_437 = arith.maximumf %scan3A_404, %min3A_436 : vector<16xf32>
        %max3A_438 = arith.maximumf %scan3A_403, %get3A_435 : vector<16xf32>
        %get3A_439 = arith.index_cast %scan3A_396 : i32 to index
        %get3A_440 = arith.constant 64 : index
        %get3A_441 = tpu.vector_load %arg9[%get3A_439, %get3A_440] {strides = array<i32>} : memref<80x128xf32, #tpu.memory_space<vmem>>, vector<1x16xf32>,
        %get3A_442 = vector.shape_cast %get3A_441 : vector<1x16xf32> to vector<16xf32>
        %min3A_443 = arith.minimumf %scan3A_405, %get3A_442 : vector<16xf32>
        %max3A_444 = arith.maximumf %scan3A_406, %min3A_443 : vector<16xf32>
        %max3A_445 = arith.maximumf %scan3A_405, %get3A_442 : vector<16xf32>
        %get3A_446 = arith.index_cast %scan3A_396 : i32 to index
        %get3A_447 = arith.constant 80 : index
        %get3A_448 = tpu.vector_load %arg9[%get3A_446, %get3A_447] {strides = array<i32>} : memref<80x128xf32, #tpu.memory_space<vmem>>, vector<1x16xf32>,
        %get3A_449 = vector.shape_cast %get3A_448 : vector<1x16xf32> to vector<16xf32>
        %min3A_450 = arith.minimumf %scan3A_407, %get3A_449 : vector<16xf32>
        %max3A_451 = arith.maximumf %scan3A_408, %min3A_450 : vector<16xf32>
        %max3A_452 = arith.maximumf %scan3A_407, %get3A_449 : vector<16xf32>
        %get3A_453 = arith.index_cast %scan3A_396 : i32 to index
        %get3A_454 = arith.constant 96 : index
        %get3A_455 = tpu.vector_load %arg9[%get3A_453, %get3A_454] {strides = array<i32>} : memref<80x128xf32, #tpu.memory_space<vmem>>, vector<1x16xf32>,
        %get3A_456 = vector.shape_cast %get3A_455 : vector<1x16xf32> to vector<16xf32>
        %min3A_457 = arith.minimumf %scan3A_409, %get3A_456 : vector<16xf32>
        %max3A_458 = arith.maximumf %scan3A_410, %min3A_457 : vector<16xf32>
        %max3A_459 = arith.maximumf %scan3A_409, %get3A_456 : vector<16xf32>
        %get3A_460 = arith.index_cast %scan3A_396 : i32 to index
        %get3A_461 = arith.constant 112 : index
        %get3A_462 = tpu.vector_load %arg9[%get3A_460, %get3A_461] {strides = array<i32>} : memref<80x128xf32, #tpu.memory_space<vmem>>, vector<1x16xf32>,
        %get3A_463 = vector.shape_cast %get3A_462 : vector<1x16xf32> to vector<16xf32>
        %min3A_464 = arith.minimumf %scan3A_411, %get3A_463 : vector<16xf32>
        %max3A_465 = arith.maximumf %scan3A_412, %min3A_464 : vector<16xf32>
        %max3A_466 = arith.maximumf %scan3A_411, %get3A_463 : vector<16xf32>
        scf.yield %max3A_417, %max3A, %max3A_424, %max3A_423, %max3A_431, %max3A_430, %max3A_438, %max3A_437, %max3A_445, %max3A_444, %max3A_452, %max3A_451, %max3A_459, %max3A_458, %max3A_466, %max3A_465 : vector<16xf32>, vector<16xf32>, vector<16xf32>, vector<16xf32>, vector<16xf32>, vector<16xf32>, vector<16xf32>, vector<16xf32>, vector<16xf32>, vector<16xf32>, vector<16xf32>, vector<16xf32>, vector<16xf32>, vector<16xf32>, vector<16xf32>, vector<16xf32>
      }
      %scan3A_395 = arith.constant 80 : i32
      scf.yield %scan3A_394#0, %scan3A_394#1, %scan3A_394#2, %scan3A_394#3, %scan3A_394#4, %scan3A_394#5, %scan3A_394#6, %scan3A_394#7, %scan3A_394#8, %scan3A_394#9, %scan3A_394#10, %scan3A_394#11, %scan3A_394#12, %scan3A_394#13, %scan3A_394#14, %scan3A_394#15 : vector<16xf32>, vector<16xf32>, vector<16xf32>, vector<16xf32>, vector<16xf32>, vector<16xf32>, vector<16xf32>, vector<16xf32>, vector<16xf32>, vector<16xf32>, vector<16xf32>, vector<16xf32>, vector<16xf32>, vector<16xf32>, vector<16xf32>, vector<16xf32>
    }
    %scan3A_257 = arith.constant 4 : i32
    %swap3A_258 = arith.constant 0 : index
    %swap3A_259 = tpu.vector_load %arg10[%swap3A_258] {strides = array<i32>} : memref<320xf32, #tpu.memory_space<vmem>>, vector<16xf32>,
    %swap3A_260 = vector.shape_cast %swap3A_259 : vector<16xf32> to vector<16xf32>
    %swap3A_261 = vector.shape_cast %scan3A_256#0 : vector<16xf32> to vector<16xf32>
    tpu.vector_store %arg10[%swap3A_258], %swap3A_261 {strides = array<i32>} : memref<320xf32, #tpu.memory_space<vmem>>, vector<16xf32>,
    %swap3A_262 = arith.constant 128 : index
    %swap3A_263 = tpu.vector_load %arg10[%swap3A_262] {strides = array<i32>} : memref<320xf32, #tpu.memory_space<vmem>>, vector<16xf32>,
    %swap3A_264 = vector.shape_cast %swap3A_263 : vector<16xf32> to vector<16xf32>
    %swap3A_265 = vector.shape_cast %scan3A_256#1 : vector<16xf32> to vector<16xf32>
    tpu.vector_store %arg10[%swap3A_262], %swap3A_265 {strides = array<i32>} : memref<320xf32, #tpu.memory_space<vmem>>, vector<16xf32>,
    %swap3A_266 = arith.constant 16 : index
    %swap3A_267 = tpu.vector_load %arg10[%swap3A_266] {strides = array<i32>} : memref<320xf32, #tpu.memory_space<vmem>>, vector<16xf32>,
    %swap3A_268 = vector.shape_cast %swap3A_267 : vector<16xf32> to vector<16xf32>
    %swap3A_269 = vector.shape_cast %scan3A_256#2 : vector<16xf32> to vector<16xf32>
    tpu.vector_store %arg10[%swap3A_266], %swap3A_269 {strides = array<i32>} : memref<320xf32, #tpu.memory_space<vmem>>, vector<16xf32>,
    %swap3A_270 = arith.constant 144 : index
    %swap3A_271 = tpu.vector_load %arg10[%swap3A_270] {strides = array<i32>} : memref<320xf32, #tpu.memory_space<vmem>>, vector<16xf32>,
    %swap3A_272 = vector.shape_cast %swap3A_271 : vector<16xf32> to vector<16xf32>
    %swap3A_273 = vector.shape_cast %scan3A_256#3 : vector<16xf32> to vector<16xf32>
    tpu.vector_store %arg10[%swap3A_270], %swap3A_273 {strides = array<i32>} : memref<320xf32, #tpu.memory_space<vmem>>, vector<16xf32>,
    %swap3A_274 = arith.constant 32 : index
    %swap3A_275 = tpu.vector_load %arg10[%swap3A_274] {strides = array<i32>} : memref<320xf32, #tpu.memory_space<vmem>>, vector<16xf32>,
    %swap3A_276 = vector.shape_cast %swap3A_275 : vector<16xf32> to vector<16xf32>
    %swap3A_277 = vector.shape_cast %scan3A_256#4 : vector<16xf32> to vector<16xf32>
    tpu.vector_store %arg10[%swap3A_274], %swap3A_277 {strides = array<i32>} : memref<320xf32, #tpu.memory_space<vmem>>, vector<16xf32>,
    %swap3A_278 = arith.constant 160 : index
    %swap3A_279 = tpu.vector_load %arg10[%swap3A_278] {strides = array<i32>} : memref<320xf32, #tpu.memory_space<vmem>>, vector<16xf32>,
    %swap3A_280 = vector.shape_cast %swap3A_279 : vector<16xf32> to vector<16xf32>
    %swap3A_281 = vector.shape_cast %scan3A_256#5 : vector<16xf32> to vector<16xf32>
    tpu.vector_store %arg10[%swap3A_278], %swap3A_281 {strides = array<i32>} : memref<320xf32, #tpu.memory_space<vmem>>, vector<16xf32>,
    %swap3A_282 = arith.constant 48 : index
    %swap3A_283 = tpu.vector_load %arg10[%swap3A_282] {strides = array<i32>} : memref<320xf32, #tpu.memory_space<vmem>>, vector<16xf32>,
    %swap3A_284 = vector.shape_cast %swap3A_283 : vector<16xf32> to vector<16xf32>
    %swap3A_285 = vector.shape_cast %scan3A_256#6 : vector<16xf32> to vector<16xf32>
    tpu.vector_store %arg10[%swap3A_282], %swap3A_285 {strides = array<i32>} : memref<320xf32, #tpu.memory_space<vmem>>, vector<16xf32>,
    %swap3A_286 = arith.constant 176 : index
    %swap3A_287 = tpu.vector_load %arg10[%swap3A_286] {strides = array<i32>} : memref<320xf32, #tpu.memory_space<vmem>>, vector<16xf32>,
    %swap3A_288 = vector.shape_cast %swap3A_287 : vector<16xf32> to vector<16xf32>
    %swap3A_289 = vector.shape_cast %scan3A_256#7 : vector<16xf32> to vector<16xf32>
    tpu.vector_store %arg10[%swap3A_286], %swap3A_289 {strides = array<i32>} : memref<320xf32, #tpu.memory_space<vmem>>, vector<16xf32>,
    %swap3A_290 = arith.constant 64 : index
    %swap3A_291 = tpu.vector_load %arg10[%swap3A_290] {strides = array<i32>} : memref<320xf32, #tpu.memory_space<vmem>>, vector<16xf32>,
    %swap3A_292 = vector.shape_cast %swap3A_291 : vector<16xf32> to vector<16xf32>
    %swap3A_293 = vector.shape_cast %scan3A_256#8 : vector<16xf32> to vector<16xf32>
    tpu.vector_store %arg10[%swap3A_290], %swap3A_293 {strides = array<i32>} : memref<320xf32, #tpu.memory_space<vmem>>, vector<16xf32>,
    %swap3A_294 = arith.constant 192 : index
    %swap3A_295 = tpu.vector_load %arg10[%swap3A_294] {strides = array<i32>} : memref<320xf32, #tpu.memory_space<vmem>>, vector<16xf32>,
    %swap3A_296 = vector.shape_cast %swap3A_295 : vector<16xf32> to vector<16xf32>
    %swap3A_297 = vector.shape_cast %scan3A_256#9 : vector<16xf32> to vector<16xf32>
    tpu.vector_store %arg10[%swap3A_294], %swap3A_297 {strides = array<i32>} : memref<320xf32, #tpu.memory_space<vmem>>, vector<16xf32>,
    %swap3A_298 = arith.constant 80 : index
    %swap3A_299 = tpu.vector_load %arg10[%swap3A_298] {strides = array<i32>} : memref<320xf32, #tpu.memory_space<vmem>>, vector<16xf32>,
    %swap3A_300 = vector.shape_cast %swap3A_299 : vector<16xf32> to vector<16xf32>
    %swap3A_301 = vector.shape_cast %scan3A_256#10 : vector<16xf32> to vector<16xf32>
    tpu.vector_store %arg10[%swap3A_298], %swap3A_301 {strides = array<i32>} : memref<320xf32, #tpu.memory_space<vmem>>, vector<16xf32>,
    %swap3A_302 = arith.constant 208 : index
    %swap3A_303 = tpu.vector_load %arg10[%swap3A_302] {strides = array<i32>} : memref<320xf32, #tpu.memory_space<vmem>>, vector<16xf32>,
    %swap3A_304 = vector.shape_cast %swap3A_303 : vector<16xf32> to vector<16xf32>
    %swap3A_305 = vector.shape_cast %scan3A_256#11 : vector<16xf32> to vector<16xf32>
    tpu.vector_store %arg10[%swap3A_302], %swap3A_305 {strides = array<i32>} : memref<320xf32, #tpu.memory_space<vmem>>, vector<16xf32>,
    %swap3A_306 = arith.constant 96 : index
    %swap3A_307 = tpu.vector_load %arg10[%swap3A_306] {strides = array<i32>} : memref<320xf32, #tpu.memory_space<vmem>>, vector<16xf32>,
    %swap3A_308 = vector.shape_cast %swap3A_307 : vector<16xf32> to vector<16xf32>
    %swap3A_309 = vector.shape_cast %scan3A_256#12 : vector<16xf32> to vector<16xf32>
    tpu.vector_store %arg10[%swap3A_306], %swap3A_309 {strides = array<i32>} : memref<320xf32, #tpu.memory_space<vmem>>, vector<16xf32>,
    %swap3A_310 = arith.constant 224 : index
    %swap3A_311 = tpu.vector_load %arg10[%swap3A_310] {strides = array<i32>} : memref<320xf32, #tpu.memory_space<vmem>>, vector<16xf32>,
    %swap3A_312 = vector.shape_cast %swap3A_311 : vector<16xf32> to vector<16xf32>
    %swap3A_313 = vector.shape_cast %scan3A_256#13 : vector<16xf32> to vector<16xf32>
    tpu.vector_store %arg10[%swap3A_310], %swap3A_313 {strides = array<i32>} : memref<320xf32, #tpu.memory_space<vmem>>, vector<16xf32>,
    %swap3A_314 = arith.constant 112 : index
    %swap3A_315 = tpu.vector_load %arg10[%swap3A_314] {strides = array<i32>} : memref<320xf32, #tpu.memory_space<vmem>>, vector<16xf32>,
    %swap3A_316 = vector.shape_cast %swap3A_315 : vector<16xf32> to vector<16xf32>
    %swap3A_317 = vector.shape_cast %scan3A_256#14 : vector<16xf32> to vector<16xf32>
    tpu.vector_store %arg10[%swap3A_314], %swap3A_317 {strides = array<i32>} : memref<320xf32, #tpu.memory_space<vmem>>, vector<16xf32>,
    %swap3A_318 = arith.constant 240 : index
    %swap3A_319 = tpu.vector_load %arg10[%swap3A_318] {strides = array<i32>} : memref<320xf32, #tpu.memory_space<vmem>>, vector<16xf32>,
    %swap3A_320 = vector.shape_cast %swap3A_319 : vector<16xf32> to vector<16xf32>
    %swap3A_321 = vector.shape_cast %scan3A_256#15 : vector<16xf32> to vector<16xf32>
    tpu.vector_store %arg10[%swap3A_318], %swap3A_321 {strides = array<i32>} : memref<320xf32, #tpu.memory_space<vmem>>, vector<16xf32>,
    %mul3A_322 = arith.constant 128 : i32
    %mul3A_323 = arith.muli %add3A, %mul3A_322 : i32
    "tpu.region"() ({
      %run_scoped3A = tpu.sem_alloc : memref<!tpu.dma_semaphore, #tpu.memory_space<semaphore_mem>>
      %dma_start3A_330 = arith.constant 0 : i32
      %dma_start3A_331 = tpu.memref_slice %arg10[%dma_start3A_330] : memref<320xf32, #tpu.memory_space<vmem>> -> memref<128xf32, #tpu.memory_space<vmem>>
      %dma_start3A_332 = tpu.memref_slice %arg4[%mul3A_323] : memref<4096xf32, #tpu.memory_space<hbm>> -> memref<128xf32, #tpu.memory_space<hbm>>
      %dma_start3A_333 = tpu.memref_slice %arg4[%mul3A_323] : memref<4096xf32, #tpu.memory_space<hbm>> -> memref<128xf32, #tpu.memory_space<hbm>>
      %dma_start3A_334 = arith.constant 0 : i32
      %dma_start3A_335 = tpu.memref_slice %arg10[%dma_start3A_334] : memref<320xf32, #tpu.memory_space<vmem>> -> memref<128xf32, #tpu.memory_space<vmem>>
      tpu.enqueue_dma source(%dma_start3A_335 : memref<128xf32, #tpu.memory_space<vmem>>) target(%dma_start3A_333 : memref<128xf32, #tpu.memory_space<hbm>>) target_semaphore(%run_scoped3A : memref<!tpu.dma_semaphore, #tpu.memory_space<semaphore_mem>>)
      %dma_wait3A = arith.constant 0 : i32
      %dma_wait3A_336 = tpu.memref_slice %arg10[%dma_wait3A] : memref<320xf32, #tpu.memory_space<vmem>> -> memref<128xf32, #tpu.memory_space<vmem>>
      %dma_wait3A_337 = tpu.memref_slice %arg4[%mul3A_323] : memref<4096xf32, #tpu.memory_space<hbm>> -> memref<128xf32, #tpu.memory_space<hbm>>
      %dma_wait3A_338 = tpu.memref_slice %arg4[%mul3A_323] : memref<4096xf32, #tpu.memory_space<hbm>> -> memref<128xf32, #tpu.memory_space<hbm>>
      %dma_wait3A_339 = arith.constant 0 : i32
      %dma_wait3A_340 = tpu.memref_slice %arg10[%dma_wait3A_339] : memref<320xf32, #tpu.memory_space<vmem>> -> memref<128xf32, #tpu.memory_space<vmem>>
      tpu.wait_dma2 semaphore(%run_scoped3A : memref<!tpu.dma_semaphore, #tpu.memory_space<semaphore_mem>>) src(%dma_wait3A_340 : memref<128xf32, #tpu.memory_space<vmem>>) dst(%dma_wait3A_338 : memref<128xf32, #tpu.memory_space<hbm>>)
      tpu.yield
    }) : () -> ()
    %mul3A_324 = arith.constant 128 : i32
    %mul3A_325 = arith.muli %add3A, %mul3A_324 : i32
    "tpu.region"() ({
      %run_scoped3A = tpu.sem_alloc : memref<!tpu.dma_semaphore, #tpu.memory_space<semaphore_mem>>
      %dma_start3A_330 = arith.constant 128 : i32
      %dma_start3A_331 = tpu.memref_slice %arg10[%dma_start3A_330] : memref<320xf32, #tpu.memory_space<vmem>> -> memref<128xf32, #tpu.memory_space<vmem>>
      %dma_start3A_332 = tpu.memref_slice %arg5[%mul3A_325] : memref<4096xf32, #tpu.memory_space<hbm>> -> memref<128xf32, #tpu.memory_space<hbm>>
      %dma_start3A_333 = tpu.memref_slice %arg5[%mul3A_325] : memref<4096xf32, #tpu.memory_space<hbm>> -> memref<128xf32, #tpu.memory_space<hbm>>
      %dma_start3A_334 = arith.constant 128 : i32
      %dma_start3A_335 = tpu.memref_slice %arg10[%dma_start3A_334] : memref<320xf32, #tpu.memory_space<vmem>> -> memref<128xf32, #tpu.memory_space<vmem>>
      tpu.enqueue_dma source(%dma_start3A_335 : memref<128xf32, #tpu.memory_space<vmem>>) target(%dma_start3A_333 : memref<128xf32, #tpu.memory_space<hbm>>) target_semaphore(%run_scoped3A : memref<!tpu.dma_semaphore, #tpu.memory_space<semaphore_mem>>)
      %dma_wait3A = arith.constant 128 : i32
      %dma_wait3A_336 = tpu.memref_slice %arg10[%dma_wait3A] : memref<320xf32, #tpu.memory_space<vmem>> -> memref<128xf32, #tpu.memory_space<vmem>>
      %dma_wait3A_337 = tpu.memref_slice %arg5[%mul3A_325] : memref<4096xf32, #tpu.memory_space<hbm>> -> memref<128xf32, #tpu.memory_space<hbm>>
      %dma_wait3A_338 = tpu.memref_slice %arg5[%mul3A_325] : memref<4096xf32, #tpu.memory_space<hbm>> -> memref<128xf32, #tpu.memory_space<hbm>>
      %dma_wait3A_339 = arith.constant 128 : i32
      %dma_wait3A_340 = tpu.memref_slice %arg10[%dma_wait3A_339] : memref<320xf32, #tpu.memory_space<vmem>> -> memref<128xf32, #tpu.memory_space<vmem>>
      tpu.wait_dma2 semaphore(%run_scoped3A : memref<!tpu.dma_semaphore, #tpu.memory_space<semaphore_mem>>) src(%dma_wait3A_340 : memref<128xf32, #tpu.memory_space<vmem>>) dst(%dma_wait3A_338 : memref<128xf32, #tpu.memory_space<hbm>>)
      tpu.yield
    }) : () -> ()
    %mul3A_326 = arith.constant 4 : i32
    %mul3A_327 = arith.muli %add3A, %mul3A_326 : i32
    %mul3A_328 = arith.constant 16 : i32
    %mul3A_329 = arith.muli %mul3A_327, %mul3A_328 : i32
    "tpu.region"() ({
      %run_scoped3A = tpu.sem_alloc : memref<!tpu.dma_semaphore, #tpu.memory_space<semaphore_mem>>
      %dma_start3A_330 = arith.constant 256 : i32
      %dma_start3A_331 = tpu.memref_slice %arg10[%dma_start3A_330] : memref<320xf32, #tpu.memory_space<vmem>> -> memref<64xf32, #tpu.memory_space<vmem>>
      %dma_start3A_332 = tpu.memref_slice %arg6[%mul3A_329] : memref<2048xf32, #tpu.memory_space<hbm>> -> memref<64xf32, #tpu.memory_space<hbm>>
      %dma_start3A_333 = tpu.memref_slice %arg6[%mul3A_329] : memref<2048xf32, #tpu.memory_space<hbm>> -> memref<64xf32, #tpu.memory_space<hbm>>
      %dma_start3A_334 = arith.constant 256 : i32
      %dma_start3A_335 = tpu.memref_slice %arg10[%dma_start3A_334] : memref<320xf32, #tpu.memory_space<vmem>> -> memref<64xf32, #tpu.memory_space<vmem>>
      tpu.enqueue_dma source(%dma_start3A_335 : memref<64xf32, #tpu.memory_space<vmem>>) target(%dma_start3A_333 : memref<64xf32, #tpu.memory_space<hbm>>) target_semaphore(%run_scoped3A : memref<!tpu.dma_semaphore, #tpu.memory_space<semaphore_mem>>)
      %dma_wait3A = arith.constant 256 : i32
      %dma_wait3A_336 = tpu.memref_slice %arg10[%dma_wait3A] : memref<320xf32, #tpu.memory_space<vmem>> -> memref<64xf32, #tpu.memory_space<vmem>>
      %dma_wait3A_337 = tpu.memref_slice %arg6[%mul3A_329] : memref<2048xf32, #tpu.memory_space<hbm>> -> memref<64xf32, #tpu.memory_space<hbm>>
      %dma_wait3A_338 = tpu.memref_slice %arg6[%mul3A_329] : memref<2048xf32, #tpu.memory_space<hbm>> -> memref<64xf32, #tpu.memory_space<hbm>>
      %dma_wait3A_339 = arith.constant 256 : i32
      %dma_wait3A_340 = tpu.memref_slice %arg10[%dma_wait3A_339] : memref<320xf32, #tpu.memory_space<vmem>> -> memref<64xf32, #tpu.memory_space<vmem>>
      tpu.wait_dma2 semaphore(%run_scoped3A : memref<!tpu.dma_semaphore, #tpu.memory_space<semaphore_mem>>) src(%dma_wait3A_340 : memref<64xf32, #tpu.memory_space<vmem>>) dst(%dma_wait3A_338 : memref<64xf32, #tpu.memory_space<hbm>>)
      tpu.yield
    }) : () -> ()
    return
  }
}

module attributes {stable_mosaic.version = 14 : i64} {
  func.func @_tc_kernel(%arg0: i32, %arg1: memref<128xi32, #tpu.memory_space<vmem>>, %arg2: memref<7952x128xf32, #tpu.memory_space<vmem>>, %arg3: memref<128xf32, #tpu.memory_space<vmem>>, %arg4: memref<1x128xf32, #tpu.memory_space<vmem>>) attributes {dimension_semantics = [#tpu.dimension_semantics<arbitrary>], iteration_bounds = array<i64: 10>, scalar_prefetch = 0 : i64, scratch_operands = 1 : i64, tpu.core_type = #tpu.core_type<tc>, window_params = [{pipeline_mode = #tpu.pipeline_mode<synchronous>, transform_indices = @transform_0, window_bounds = array<i64: 128>}, {transform_indices = @transform_1, window_bounds = array<i64: 7952, 128>}, {pipeline_mode = #tpu.pipeline_mode<synchronous>, transform_indices = @transform_2, window_bounds = array<i64: 128>}]} {
    %get3A = arith.constant 0 : index
    %get3A_0 = arith.constant 0 : index
    %get3A_1 = vector.load %arg2[%get3A, %get3A_0] : memref<7952x128xf32, #tpu.memory_space<vmem>>, vector<7952x128xf32>
    %get3A_2 = arith.constant 0 : index
    %get3A_3 = vector.load %arg1[%get3A_2] : memref<128xi32, #tpu.memory_space<vmem>>, vector<128xi32>
    %reshape3A = vector.shape_cast %get3A_3 : vector<128xi32> to vector<1x128xi32>
    %iota3A = tpu.iota {dimensions = array<i32: 0>} : vector<7952x128xi32>
    %mul3A = arith.constant 7952 : i32
    %mul3A_4 = arith.muli %arg0, %mul3A : i32
    %sub3A = vector.broadcast %mul3A_4 : i32 to vector<1x128xi32>
    %sub3A_5 = arith.subi %reshape3A, %sub3A : vector<1x128xi32>
    %eq3A = vector.broadcast %sub3A_5 : vector<1x128xi32> to vector<7952x128xi32>
    %eq3A_6 = arith.cmpi eq, %iota3A, %eq3A : vector<7952x128xi32>
    %jit3A = arith.constant 0xFF800000 : f32
    %broadcast_in_dim3A = vector.broadcast %jit3A : f32 to vector<7952x128xf32>
    %select_n3A = arith.select %eq3A_6, %broadcast_in_dim3A, %get3A_1 : vector<7952x128xi1>, vector<7952x128xf32>
    %reduce_max3A = arith.constant dense<0xFF800000> : vector<128xf32>
    %reduce_max3A_7 = vector.multi_reduction <maximumf>, %select_n3A, %reduce_max3A [0] : vector<7952x128xf32> to vector<128xf32>
    %reshape3A_8 = vector.shape_cast %reduce_max3A_7 : vector<128xf32> to vector<1x128xf32>
    %eq3A_9 = arith.constant 0 : i32
    %eq3A_10 = arith.cmpi eq, %arg0, %eq3A_9 : i32
    %convert_element_type3A = arith.extui %eq3A_10 : i1 to i32
    %cond3A = arith.constant 0 : i32
    %cond3A_11 = arith.cmpi ne, %convert_element_type3A, %cond3A : i32
    scf.if %cond3A_11 {
      %swap3A = arith.constant 0 : index
      %swap3A_21 = arith.constant 0 : index
      %swap3A_22 = vector.load %arg4[%swap3A, %swap3A_21] : memref<1x128xf32, #tpu.memory_space<vmem>>, vector<1x128xf32>
      tpu.vector_store %arg4[%swap3A, %swap3A_21], %reshape3A_8 {strides = array<i32>} : memref<1x128xf32, #tpu.memory_space<vmem>>, vector<1x128xf32>,
    } else {
    }
    %gt3A = arith.constant 0 : i32
    %gt3A_12 = arith.cmpi sgt, %arg0, %gt3A : i32
    %convert_element_type3A_13 = arith.extui %gt3A_12 : i1 to i32
    %cond3A_14 = arith.constant 0 : i32
    %cond3A_15 = arith.cmpi ne, %convert_element_type3A_13, %cond3A_14 : i32
    scf.if %cond3A_15 {
      %get3A_21 = arith.constant 0 : index
      %get3A_22 = arith.constant 0 : index
      %get3A_23 = vector.load %arg4[%get3A_21, %get3A_22] : memref<1x128xf32, #tpu.memory_space<vmem>>, vector<1x128xf32>
      %max3A = arith.maximumf %get3A_23, %reshape3A_8 : vector<1x128xf32>
      %swap3A = arith.constant 0 : index
      %swap3A_24 = arith.constant 0 : index
      %swap3A_25 = vector.load %arg4[%swap3A, %swap3A_24] : memref<1x128xf32, #tpu.memory_space<vmem>>, vector<1x128xf32>
      tpu.vector_store %arg4[%swap3A, %swap3A_24], %max3A {strides = array<i32>} : memref<1x128xf32, #tpu.memory_space<vmem>>, vector<1x128xf32>,
    } else {
    }
    %eq3A_16 = arith.constant 9 : i32
    %eq3A_17 = arith.cmpi eq, %arg0, %eq3A_16 : i32
    %convert_element_type3A_18 = arith.extui %eq3A_17 : i1 to i32
    %cond3A_19 = arith.constant 0 : i32
    %cond3A_20 = arith.cmpi ne, %convert_element_type3A_18, %cond3A_19 : i32
    scf.if %cond3A_20 {
      %get3A_21 = arith.constant 0 : index
      %get3A_22 = arith.constant 0 : index
      %get3A_23 = vector.load %arg4[%get3A_21, %get3A_22] : memref<1x128xf32, #tpu.memory_space<vmem>>, vector<1x128xf32>
      %reshape3A_24 = vector.shape_cast %get3A_23 : vector<1x128xf32> to vector<128xf32>
      %swap3A = arith.constant 0 : index
      %swap3A_25 = vector.load %arg3[%swap3A] : memref<128xf32, #tpu.memory_space<vmem>>, vector<128xf32>
      tpu.vector_store %arg3[%swap3A], %reshape3A_24 {strides = array<i32>} : memref<128xf32, #tpu.memory_space<vmem>>, vector<128xf32>,
    } else {
    }
    return
  }
  func.func @transform_0(%arg0: i32) -> i32 {
    %c0_i32 = arith.constant 0 : i32
    %c0_i32_0 = arith.constant 0 : i32
    return %c0_i32 : i32
  }
  func.func @transform_1(%arg0: i32) -> (i32, i32) {
    %c0_i32 = arith.constant 0 : i32
    %c0_i32_0 = arith.constant 0 : i32
    return %arg0, %c0_i32 : i32, i32
  }
  func.func @transform_2(%arg0: i32) -> i32 {
    %c0_i32 = arith.constant 0 : i32
    %c0_i32_0 = arith.constant 0 : i32
    return %c0_i32 : i32
  }
}

</mosaic_0001>

<sc_bundles>
// kernel: kernel.4.cloned.1.call-start
scs
__scs_entry_jumppad:
0x0: {  	(pc) =	sbr.rel $0x88, $3  }
0x1: {  	(tag) =	ssettag $0x0;
	lr =	simm.s32 $0x1  }
0x2: {  	[smem:$0x3F9F] =	sst lr;
	_ =	strace $0xD0000000  }
0x3: {  	_ = 	snop  }
0x4: {  	_ = 	snop  }
0x5: {  	_ = 	snop  }
0x6: {  	_ = 	snop  }
0x7: {  	_ = 	snop  }
__scs_overlays_trampoline_lowered:
0x8: {  	[smem:$0x3FAE] =	sst s0  }
0x9: {  	[smem:$0x3FAF] =	sst s1  }
0xa: {  	[smem:$0x3FB0] =	sst s2  }
0xb: {  	[smem:$0x3FB1] =	sst s3  }
0xc: {  	[smem:$0x3FB2] =	sst s4  }
0xd: {  	[smem:$0x3FB3] =	sst s5  }
0xe: {  	[smem:$0x3FB4] =	sst s6  }
0xf: {  	[smem:$0x3FB5] =	sst s7  }
0x10: {  	[smem:$0x3FB6] =	sst s8  }
0x11: {  	[smem:$0x3FB7] =	sst s9;
	s0 =	simm.s32 @!p0 $0x0  }
0x12: {  	s1 =	sld [smem:$0x3F9D];
	s0 =	simm.s32 @p0 $0x1  }
0x13: {  	[smem:$0x3FB8] =	sst s0;
	s0 =	simm.s32 @!p1 $0x0  }
0x14: {  	s2 =	sld [smem:$0x3F9C];
	s0 =	simm.s32 @p1 $0x1  }
0x15: {  	[smem:$0x3FB9] =	sst s0;
	s0 =	simm.s32 @!p2 $0x0  }
0x16: {  	s3 =	sld [smem:$0x3FDB];
	s0 =	simm.s32 @p2 $0x1  }
0x17: {  	s4 =	simm.s32 $0x1BF5;
	[smem:$0x3FBB] =	sst s0  }
0x18: {  	s0 =	sld [smem:$0x3F9E];
	_ =	swait.ge [sflag:s4], $0x0  }
0x19: {  	s7 =	sld [smem:$0x3F9F]  }
0x1a: {  	s8 =	sadd.s32 $0xFFFFE003, lr  }
0x1b: {  	s9 =	sadd.s32 $0xFFFFFEF7, lr;
	s5 =	simm.s32 $0xFFFFFFFF;
	p2 =	slt.u32 s8, $0xFFFFF086  }
0x1c: {  	p1 =	slt.u32 s9, $0xF7A;
	s5 =	simm.s32 @!p2 $0x0  }
0x1d: {  	s5 =	simm.s32 @p1 $0x1;
	p0 =	seq.s32 s7, s2  }
0x1e: {  	s7 =	smul.u32 @!p0 $0xF7A, s2;
	p2 =	seq.s32 @!p0 s5, $0x0  }
0x1f: {  	s9 =	smul.u32 $0xF7A, s1;
	s8 =	simm.s32 @!p0 $0x1BF5;
	p2 =	por !p2, p0  }
0x20: {  	[sflag:s8] =	ssyncset.s32 @!p0 $0xFFFFF086;
	s6 =	sadd.s32 @!p0 s3, s7;
	s7 =	simm.s32 @!p0 $0x108  }
0x21: {  	s3 =	sadd.s32 s3, s9;
	s6 =	sadd.s32 @!p0 $0x88, s6;
	s7 =	simm.s32 @p2 $0x1082  }
0x22: {  	[simem:s7], [sflag:s8] =	dma.local @!p0 [hbm:s6], $0xF7A  }
0x23: {  	s9 =	sor.u32 $0xD0000000, s2;
	s6 =	simm.s32 $0x108;
	_ =	swait.ge @!p0 [sflag:s8], $0x0  }
0x24: {  	s3 =	sadd.s32 $0x88, s3;
	s6 =	simm.s32 @!p1 $0x1082;
	[sflag:s4] =	ssyncset.s32 $0xFFFFF086  }
0x25: {  	[simem:s6], [sflag:s4] =	dma.local [hbm:s3], $0xF7A  }
0x26: {  	[smem:$0x3F9F] =	sst s1;
	(tag) =	ssettag s2;
	_ =	strace s9  }
0x27: {  	s1 =	sld [smem:$0x3FAF]  }
0x28: {  	s2 =	sld [smem:$0x3FB0]  }
0x29: {  	s4 =	sld [smem:$0x3FB2]  }
0x2a: {  	p0 =	seq.s32 s5, $0x0;
	s5 =	sld [smem:$0x3FB3]  }
0x2b: {  	s6 =	sld [smem:$0x3FB4]  }
0x2c: {  	s7 =	sld [smem:$0x3FB5]  }
0x2d: {  	s3 =	simm.s32 $0x108;
	s8 =	sld [smem:$0x3FB6]  }
0x2e: {  	s3 =	simm.s32 @!p0 $0x1082;
	s9 =	sld [smem:$0x3FB7]  }
0x2f: {  	lr =	sadd.s32 s0, s3;
	s0 =	sld [smem:$0x3FAE]  }
0x30: {  	s3 =	sld [smem:$0x3FB1]  }
0x31: {  	[smem:$0x3FBA] =	sst s10  }
0x32: {  	s10 =	sld [smem:$0x3FB8];
	_ =	sdelay $0x3  }
0x33: {  	p0 =	seq.s32 s10, $0x1;
	s10 =	sld [smem:$0x3FBA];
	_ =	sdelay $0x3  }
0x34: {  	[smem:$0x3FBA] =	sst s10  }
0x35: {  	s10 =	sld [smem:$0x3FB9];
	_ =	sdelay $0x3  }
0x36: {  	p1 =	seq.s32 s10, $0x1;
	s10 =	sld [smem:$0x3FBA];
	_ =	sdelay $0x3  }
0x37: {  	[smem:$0x3FBA] =	sst s10  }
0x38: {  	s10 =	sld [smem:$0x3FBB]  }
0x39: {  	_ = 	snop;
	(pc) =	sbr.ind lr, $3  }
0x3a: {  	_ = 	snop  }
0x3b: {  	_ = 	snop  }
0x3c: {  	p2 =	seq.s32 s10, $0x1;
	s10 =	sld [smem:$0x3FBA]  }
0x3d: {  	_ =	shalt  }
0x3e: {  	_ =	shalt  }
0x3f: {  	_ =	shalt  }
0x40: {  	_ =	shalt  }
0x41: {  	_ =	shalt  }
0x42: {  	_ =	shalt  }
0x43: {  	_ =	shalt  }
0x44: {  	_ =	shalt  }
0x45: {  	_ =	shalt  }
0x46: {  	_ =	shalt  }
0x47: {  	_ =	shalt  }
0x48: {  	_ =	shalt  }
0x49: {  	_ =	shalt  }
0x4a: {  	_ =	shalt  }
0x4b: {  	_ =	shalt  }
0x4c: {  	_ =	shalt  }
0x4d: {  	_ =	shalt  }
0x4e: {  	_ =	shalt  }
0x4f: {  	_ =	shalt  }
0x50: {  	_ =	shalt  }
0x51: {  	_ =	shalt  }
0x52: {  	_ =	shalt  }
0x53: {  	_ =	shalt  }
0x54: {  	_ =	shalt  }
0x55: {  	_ =	shalt  }
0x56: {  	_ =	shalt  }
0x57: {  	_ =	shalt  }
0x58: {  	_ =	shalt  }
0x59: {  	_ =	shalt  }
0x5a: {  	_ =	shalt  }
0x5b: {  	_ =	shalt  }
0x5c: {  	_ =	shalt  }
0x5d: {  	_ =	shalt  }
0x5e: {  	_ =	shalt  }
0x5f: {  	_ =	shalt  }
0x60: {  	_ =	shalt  }
0x61: {  	_ =	shalt  }
0x62: {  	_ =	shalt  }
0x63: {  	_ =	shalt  }
0x64: {  	_ =	shalt  }
0x65: {  	_ =	shalt  }
0x66: {  	_ =	shalt  }
0x67: {  	_ =	shalt  }
0x68: {  	_ =	shalt  }
0x69: {  	_ =	shalt  }
0x6a: {  	_ =	shalt  }
0x6b: {  	_ =	shalt  }
0x6c: {  	_ =	shalt  }
0x6d: {  	_ =	shalt  }
0x6e: {  	_ =	shalt  }
0x6f: {  	_ =	shalt  }
0x70: {  	_ =	shalt  }
0x71: {  	_ =	shalt  }
0x72: {  	_ =	shalt  }
0x73: {  	_ =	shalt  }
0x74: {  	_ =	shalt  }
0x75: {  	_ =	shalt  }
0x76: {  	_ =	shalt  }
0x77: {  	_ =	shalt  }
0x78: {  	_ =	shalt  }
0x79: {  	_ =	shalt  }
0x7a: {  	_ =	shalt  }
0x7b: {  	_ =	shalt  }
0x7c: {  	_ =	shalt  }
0x7d: {  	_ =	shalt  }
0x7e: {  	_ =	shalt  }
0x7f: {  	_ =	shalt  }
0x80: {  	_ =	shalt  }
0x81: {  	_ =	shalt  }
0x82: {  	_ =	shalt  }
0x83: {  	_ =	shalt  }
0x84: {  	_ =	shalt  }
0x85: {  	_ =	shalt  }
0x86: {  	_ =	shalt  }
0x87: {  	_ =	shalt  }
.Lfunc_end0:
.L_simem_size_0:
called_computation_lowered:
.L_overlay_start_0:
0x88: {  	s2 =	sld [smem:$0x3FD9]  }
0x89: {  	s3 =	sld [smem:$0x3FFE];
	_ =	sdelay $0x1  }
0x8a: {  	s1 =	srdreg.scid  }
0x8b: {  	s0 =	sand.u32 $0x1, s1  }
0x8c: {  	s17 =	sshll.u32 s0, $0xA;
	s2 =	sadd.s32 s3, s2  }
0x8d: {  	s2 =	sadd.s32 s2, s17  }
0x8e: {  	[smem:$0x3FC6] =	sst s2  }
0x8f: {  	_ = 	snop  }
0x90: {  	s2 =	sld [smem:$0x3FC9];
	(tm) =	ssettm $0x1  }
0x91: {  	s18 =	sld [smem:$0x3FFB];
	_ =	sdelay $0x3  }
0x92: {  	_ =	strace s18  }
0x93: {  	s3 =	sld [smem:$0x3FFC];
	_ =	sdelay $0x3  }
0x94: {  	_ =	strace s3  }
0x95: {  	s3 =	sld [smem:$0x3FFD];
	_ =	sdelay $0x3  }
0x96: {  	_ =	strace s3  }
0x97: {  	_ =	strace $0x8FFFFFFF  }
0x98: {  	s19 =	sld [smem:$0x3FDB];
	_ =	sdelay $0x1  }
0x99: {  	s4 =	simm.s32 $_scs_section_size  }
0x9a: {  	s5 =	simm.s32 $_size__tile_overlayer_lowered;
	s6 =	simm.s32 $_tile_overlayer_lowered  }
0x9b: {  	s22 =	simm.s32 $0x1BFF;
	s21 =	sshll.u32 s6, $0x1;
	s3 =	sadd.s32 s4, s19  }
0x9c: {  	s7 =	simm.s32 $0x0;
	s20 =	sshll.u32 s5, $0x1;
	s5 =	sadd.s32 s21, s3  }
0x9d: {  	[timem:s7], [sflag:s22] =	dma.local [hbm:s5], s20  }
0x9e: {  	_ =	swait.ge [sflag:s22], s20  }
0x9f: {  	s4 =	ssub.s32 $0x0, s20;
	[sflag:s22] =	ssyncset.done $0x0  }
0xa0: {  	[sflag:s22] =	ssyncadd.s32 s4;
	_ =	sdelay $0x1  }
0xa1: {  	s23 =	simm.s32 $0x1B8B  }
0xa2: {  	_ =	swait.ge [sflag:s23], $0x1  }
0xa3: {  	[sflag:s23] =	ssyncset.done $0x0  }
0xa4: {  	s25 =	simm.s32 $0x1B8E;
	s24 =	sld [smem:$0x3FFE];
	[sflag:s23] =	ssyncadd.s32 $0xFFFFFFFF  }
0xa5: {  	s26 =	simm.s32 $execute0_lowered;
	[smem:$0x3FD2] =	sst s25  }
0xa6: {  	s5 =	sshll.u32 s26, $0x1;
	_ =	strace $0x80000046;
	[dreg:$0x1] =	wrdreg $0xFFFFFFFF  }
0xa7: {  	s28 =	simm.s32 $_size_execute0_lowered;
	s3 =	sadd.s32 s3, s5;
	[dreg:$0x0] =	wrdreg $0x0  }
0xa8: {  	s5 =	sshll.u32 s28, $0x1;
	[dreg:$0x2] =	wrdreg s3  }
0xa9: {  	[dreg:$0x3] =	wrdreg s5  }
0xaa: {  	[dreg:$0x4] =	wrdreg $0xC0  }
0xab: {  	_ =	task [dreg:s7], $0x5FFFF  }
0xac: {  	[dreg:$0x1] =	wrdreg $0xFFFFFFFF  }
0xad: {  	[dreg:$0x0] =	wrdreg $0x60  }
0xae: {  	[dreg:$0x2] =	wrdreg s2  }
0xaf: {  	[dreg:$0x3] =	wrdreg s24  }
0xb0: {  	[dreg:$0x4] =	wrdreg $0x9  }
0xb1: {  	_ =	task.clear_ibuf [dreg:s7], $0x5FFFF;
	_ =	strace $0x90000046  }
0xb2: {  	s29 =	simm.s32 $0x9;
	_ =	strace $0x80000048  }
0xb3: {  	_ =	swait.ge [sflag:s29], $0x1  }
0xb4: {  	[sflag:s29] =	ssyncadd.s32 $0xFFFFFFFF  }
0xb5: {  	_ =	strace $0x90000048  }
0xb6: {  	_ =	sfence  }
0xb7: {  	s30 =	sld [smem:$0x0];
	_ =	sdelay $0x2  }
0xb8: {  	s31 =	sshll.u32 s1, $0xD;
	s1 =	sshrl.u32 s1, $0x2  }
0xb9: {  	s3 =	sand.u32 $0x4000, s31;
	s1 =	sadd.s32 s1, s30  }
0xba: {  	s0 =	sor.u32 s3, s0;
	s1 =	sshll.u32 s1, $0x11  }
0xbb: {  	s0 =	sor.u32 s1, s0  }
0xbc: {  	s0 =	sadd.s32 $0x8F2B, s0  }
0xbd: {  	[sflag:s0] =	ssyncadd.remote.s32 $0x1  }
0xbe: {  	_ =	sfence.sel $0xFFFF  }
0xbf: {  	[dreg:$0x0] =	wrdreg $0xFFFFFFFF;
	(pc) =	sbr.abs _section_cstart, $3  }
0xc0: {  	[dreg:$0x1] =	wrdreg $0xFFFFFFFF  }
0xc1: {  	_ =	task.clear_ibuf [dreg:s7], $0x2FFFF;
	_ =	strace $0x9FFFFFFF  }
0xc2: {  	(tm) =	ssettm $0x7FFFFFFF  }
0xc3: {  	_ =	shalt  }
tec
execute0_lowered:
.L_overlay_start_1:
0x0: {  	(tag) =	ssettag $0x1  }
0x1: {  	s2 =	rddreg [dreg:$0x0]  }
0x2: {  	s4 =	rddreg [dreg:$0x1];
	s3 =	srdreg.scid  }
0x3: {  	s1 =	stileid.u32;
	s13 =	simm.s32 $0x3;
	s14 =	simm.s32 $0x5200  }
0x4: {  	s16 =	simm.s32 $0x5280;
	s17 =	simm.s32 $0x5300;
	s20 =	simm.s32 $0x2880  }
0x5: {  	s23 =	simm.s32 $0x5080;
	s24 =	simm.s32 $0x5100;
	s25 =	simm.s32 $0x5180  }
0x6: {  	s26 =	simm.s32 $0x0;
	s5 =	sand.u32 $0x1, s3;
	s6 =	sshll.u32 s1, $0x1  }
0x7: {  	s3 =	simm.s32 $0x0;
	s6 =	sor.u32 s5, s6;
	s5 =	ssub.s32 $0x2, s5  }
0x8: {  	[smem:$0x7FF] =	sst s3;
	s7 =	sshll.u32 s6, $0x4;
	s8 =	sshrl.u32 s5, $0x1  }
0x9: {  	_ =	strace $0x80000047;
	s30 =	smul.u32 $0x280, s6;
	s31 =	sshll.u32 s6, $0x3  }
0xa: {  	s9 =	sshll.u32 s6, $0x2;
	s6 =	smul.u32 $0x2800, s6;
	s10 =	sadd.s32 s7, s4  }
0xb: {  	s12 =	ssub.s32 s5, s8;
	s4 =	sadd.s32 s4, s31;
	s18 =	sand.u32 $0xC, s9  }
0xc: {  	s15 =	sand.u32 $0x1C0, s7;
	s5 =	sand.u32 $0x70, s9;
	s21 =	sor.u32 $0x1, s18  }
0xd: {  	s22 =	sor.u32 $0x2, s18;
	s19 =	sor.u32 $0x3, s18;
	s6 =	sadd.s32 s2, s6  }
0xe: {  	s7 =	sadd.s32 $0x136F0, s30;
	s8 =	sadd.s32 $0x13740, s30;
	s9 =	sadd.s32 $0x600, s10  }
0xf: {  	v2 =	vlaneseq.u32;
	s10 =	sadd.s32 $0x200, s10;
	s11 =	sadd.s32 $0x400, s4;
	s12 =	smax.u32 s12, $0x1;
	v0 =	vmov s18;
	v1 =	vmov s19  }
0x10: {  	s15 =	sshrl.u32 s15, $0x2;
	s18 =	simm.s32 $0x5380;
	s6 =	sadd.s32 $0x136A00, s6;
	v3 =	vmov s21;
	v4 =	vmov s22;
	vm3 =	veq.s32 v0, v2  }
0x11: {  	s19 =	simm.s32 $0x80;
	s21 =	simm.s32 $0x1;
	s22 =	simm.s32 $0x2;
	vm0 =	veq.s32 v1, v2;
	vm1 =	veq.s32 v4, v2;
	vm2 =	veq.s32 v3, v2  }
.LBB2_1:
0x12: {  	[tilespmem:s3], [sflag:$0x3] =	stream.linear.gather [hbm4b:s4+s3], $0x40, $0x38;
	[tilespmem:$0x5400] =	vst v63  }
0x13: {  	_ =	swait.ge [sflag:s13], $0x40  }
0x14: {  	[sflag:s13] =	ssyncset.done $0x0  }
0x15: {  	[sflag:s13] =	ssyncadd.s32 $0xFFFFFFC0  }
0x16: {  	v0 =	vld [tilespmem:$0x0];
	_ =	sdelay $0x4  }
0x17: {  	(v2sf) =	vpush v0, $0x0;
	_ =	sdelay $0xe  }
0x18: {  	s28 =	spop (v2sf)  }
0x19: {  	s28 =	sshll.u32 s28, $0x4  }
0x1a: {  	s28 =	sand.u32 $0x1FFFFFF0, s28  }
0x1b: {  	s28 =	sadd.s32 s2, s28  }
0x1c: {  	[tilespmem:s14], [sflag:$0x3] =	stream.linear.gather [hbm4b:s28+s3], $0x80, $0x38;
	[tilespmem:$0x5400] =	vst v63  }
0x1d: {  	_ =	swait.ge [sflag:s13], $0x80  }
0x1e: {  	[sflag:s13] =	ssyncset.done $0x0  }
0x1f: {  	[sflag:s13] =	ssyncadd.s32 $0xFFFFFF80  }
0x20: {  	v0 =	vld [tilespmem:$0x10];
	_ =	sdelay $0x4  }
0x21: {  	(v2sf) =	vpush v0, $0x0;
	_ =	sdelay $0xb  }
0x22: {  	v0 =	vld [tilespmem:s15+$0x5200];
	_ =	sdelay $0x2  }
0x23: {  	s28 =	spop (v2sf)  }
0x24: {  	s28 =	sshll.u32 s28, $0x4  }
0x25: {  	v0 =	vnsel vm3, $0xFF800000, v0;
	s28 =	sand.u32 $0x1FFFFFF0, s28  }
0x26: {  	[tilespmem:$0x5180] =	vst v0;
	s28 =	sadd.s32 s2, s28  }
0x27: {  	[tilespmem:s16], [sflag:$0x3] =	stream.linear.gather [hbm4b:s28+s3], $0x80, $0x38;
	[tilespmem:$0x5400] =	vst v63  }
0x28: {  	_ =	swait.ge [sflag:s13], $0x80  }
0x29: {  	[sflag:s13] =	ssyncset.done $0x0  }
0x2a: {  	[sflag:s13] =	ssyncadd.s32 $0xFFFFFF80  }
0x2b: {  	v0 =	vld [tilespmem:$0x20];
	_ =	sdelay $0x4  }
0x2c: {  	(v2sf) =	vpush v0, $0x0;
	_ =	sdelay $0xb  }
0x2d: {  	v0 =	vld [tilespmem:s5+$0x5280];
	_ =	sdelay $0x2  }
0x2e: {  	s28 =	spop (v2sf)  }
0x2f: {  	s28 =	sshll.u32 s28, $0x4  }
0x30: {  	v0 =	vnsel vm2, $0xFF800000, v0;
	s28 =	sand.u32 $0x1FFFFFF0, s28  }
0x31: {  	[tilespmem:$0x5190] =	vst v0;
	s28 =	sadd.s32 s2, s28  }
0x32: {  	[tilespmem:s17], [sflag:$0x3] =	stream.linear.gather [hbm4b:s28+s3], $0x80, $0x38;
	[tilespmem:$0x5400] =	vst v63  }
0x33: {  	_ =	swait.ge [sflag:s13], $0x80  }
0x34: {  	[sflag:s13] =	ssyncset.done $0x0  }
0x35: {  	[sflag:s13] =	ssyncadd.s32 $0xFFFFFF80  }
0x36: {  	v0 =	vld [tilespmem:$0x30];
	_ =	sdelay $0x4  }
0x37: {  	(v2sf) =	vpush v0, $0x0;
	_ =	sdelay $0xb  }
0x38: {  	v0 =	vld [tilespmem:s5+$0x5300];
	_ =	sdelay $0x2  }
0x39: {  	s28 =	spop (v2sf)  }
0x3a: {  	s28 =	sshll.u32 s28, $0x4  }
0x3b: {  	v0 =	vnsel vm1, $0xFF800000, v0;
	s28 =	sand.u32 $0x1FFFFFF0, s28  }
0x3c: {  	[tilespmem:$0x51A0] =	vst v0;
	s28 =	sadd.s32 s2, s28  }
0x3d: {  	[tilespmem:s18], [sflag:$0x3] =	stream.linear.gather [hbm4b:s28+s3], $0x80, $0x38;
	[tilespmem:$0x5400] =	vst v63  }
0x3e: {  	_ =	swait.ge [sflag:s13], $0x80  }
0x3f: {  	[sflag:s13] =	ssyncset.done $0x0  }
0x40: {  	[sflag:s13] =	ssyncadd.s32 $0xFFFFFF80  }
0x41: {  	v0 =	vld [tilespmem:s5+$0x5380];
	_ =	sdelay $0x1  }
0x42: {  	v13 =	vimm.f32 $-Inf;
	v1 =	vimm.f32 $-Inf  }
0x43: {  	v2 =	vimm.f32 $-Inf;
	v4 =	vimm.f32 $-Inf;
	v5 =	vimm.f32 $-Inf  }
0x44: {  	v6 =	vimm.f32 $-Inf;
	v7 =	vimm.f32 $-Inf;
	v8 =	vimm.f32 $-Inf  }
0x45: {  	v9 =	vimm.f32 $-Inf;
	v10 =	vimm.f32 $-Inf;
	v3 =	vnsel vm0, $0xFF800000, v0  }
0x46: {  	v11 =	vimm.f32 $-Inf;
	v15 =	vimm.f32 $-Inf;
	v14 =	vimm.f32 $-Inf;
	s28 =	simm.s32 $0x0;
	[tilespmem:$0x51B0] =	vst v3  }
0x47: {  	v12 =	vimm.f32 $-Inf;
	v0 =	vimm.f32 $-Inf;
	v3 =	vimm.f32 $-Inf;
	[tilespmem:s19], [sflag:$0x1] =	stream.linear.gather [hbm4b:s6+s3], $0x2800, $0x38;
	[tilespmem:$0x5400] =	vst v63  }
.LBB2_2:
0x48: {  	s29 =	smul.u32 $0xA0, s28;
	_ =	sdelay $0x1  }
0x49: {  	s30 =	sadd.s32 s29, s7  }
0x4a: {  	s30 =	sshll.u32 s30, $0x4  }
0x4b: {  	s31 =	simm.s32 $0x0;
	s30 =	sadd.s32 s2, s30  }
0x4c: {  	[tilespmem:s20], [sflag:$0x2] =	stream.linear.gather [hbm4b:s30+s31], $0x2800, $0x38;
	[tilespmem:$0x5400] =	vst v63  }
0x4d: {  	_ =	swait.ge [sflag:s21], $0x2800  }
0x4e: {  	[sflag:s21] =	ssyncset.done $0x0  }
0x4f: {  	s0 =	simm.s32 $0x0;
	[sflag:s21] =	ssyncadd.s32 $0xFFFFD800  }
0x50: {  	v16 =	vld [tilespmem:s0+$0xF0]  }
0x51: {  	v18 =	vld [tilespmem:s0+$0x80]  }
0x52: {  	v20 =	vld [tilespmem:s0+$0x90]  }
0x53: {  	v21 =	vld [tilespmem:s0+$0xA0]  }
0x54: {  	v19 =	vld [tilespmem:s0+$0xB0]  }
0x55: {  	v17 =	vld [tilespmem:s0+$0xC0];
	v22 =	vmin.f32 v0, v16  }
0x56: {  	v23 =	vmin.f32 v12, v18;
	v12 =	vmax.f32 v12, v18;
	v18 =	vld [tilespmem:s0+$0xD0];
	v13 =	vmax.f32 v13, v22  }
0x57: {  	s30 =	simm.s32 $0x80;
	s31 =	simm.s32 $0x400;
	v14 =	vmax.f32 v14, v23;
	v22 =	vmin.f32 v15, v20;
	v15 =	vmax.f32 v15, v20;
	v20 =	vld [tilespmem:s0+$0xE0]  }
.LBB2_3:
0x58: {  	p0 =	sne.s32 s31, $0x9E00;
	v23 =	vld [tilespmem:s30+$0xF0];
	v11 =	vmax.f32 v11, v22;
	v22 =	vmin.f32 v10, v21;
	v10 =	vmax.f32 v10, v21  }
0x59: {  	v24 =	vld [tilespmem:s30+$0x80];
	v9 =	vmax.f32 v9, v22;
	v21 =	vmin.f32 v8, v19;
	v8 =	vmax.f32 v8, v19  }
0x5a: {  	v25 =	vld [tilespmem:s30+$0x90];
	v7 =	vmax.f32 v7, v21;
	v19 =	vmin.f32 v6, v17;
	v6 =	vmax.f32 v6, v17  }
.Ltmp0:
0x5b: {  	v21 =	vld [tilespmem:s30+$0xA0];
	v5 =	vmax.f32 v5, v19;
	v22 =	vmin.f32 v4, v18;
	v4 =	vmax.f32 v4, v18;
	(pc) =	sbr.rel @p0 .LBB2_3-.Ltmp0, $4  }
0x5c: {  	v0 =	vmax.f32 v0, v16;
	v19 =	vld [tilespmem:s30+$0xB0];
	v18 =	vmin.f32 v2, v20;
	v2 =	vmax.f32 v2, v20  }
0x5d: {  	v3 =	vmax.f32 v3, v22;
	v17 =	vld [tilespmem:s30+$0xC0];
	v20 =	vmin.f32 v0, v23;
	v1 =	vmax.f32 v1, v18;
	v16 =	vmovc v23  }
0x5e: {  	v22 =	vmin.f32 v12, v24;
	v12 =	vmax.f32 v12, v24;
	v18 =	vld [tilespmem:s30+$0xD0];
	v13 =	vmax.f32 v13, v20  }
0x5f: {  	v14 =	vmax.f32 v14, v22;
	v22 =	vmin.f32 v15, v25;
	v15 =	vmax.f32 v15, v25;
	v20 =	vld [tilespmem:s30+$0xE0];
	s30 =	sshra.s32 s31, $0x2;
	s31 =	sadd.s32 $0x200, s31  }
0x60: {  	v23 =	vld [tilespmem:s30+$0xF0]  }
0x61: {  	v24 =	vld [tilespmem:s30+$0x80]  }
0x62: {  	v25 =	vld [tilespmem:s30+$0x90]  }
0x63: {  	v26 =	vld [tilespmem:s30+$0xA0]  }
0x64: {  	v11 =	vmax.f32 v11, v22;
	v22 =	vmin.f32 v10, v21;
	v10 =	vmax.f32 v10, v21;
	v21 =	vld [tilespmem:s30+$0xB0];
	p0 =	seq.s32 s28, $0x3  }
0x65: {  	v27 =	vld [tilespmem:s30+$0xD0];
	s0 =	sadd.s32 @!p0 s29, s8  }
0x66: {  	v29 =	vld [tilespmem:s30+$0xE0];
	v16 =	vmax.f32 v0, v16;
	v9 =	vmax.f32 v9, v22;
	v22 =	vmin.f32 v8, v19;
	s0 =	sshll.u32 @!p0 s0, $0x4  }
0x67: {  	v8 =	vmax.f32 v8, v19;
	v19 =	vld [tilespmem:s30+$0xC0];
	s29 =	simm.s32 @!p0 $0x0;
	s30 =	simm.s32 @!p0 $0x80;
	v22 =	vmax.f32 v7, v22;
	v7 =	vmin.f32 v6, v17;
	s0 =	sadd.s32 @!p0 s2, s0  }
0x68: {  	v17 =	vmax.f32 v6, v17;
	v28 =	vmax.f32 v5, v7;
	v5 =	vmin.f32 v4, v18;
	[tilespmem:s30], [sflag:$0x1] =	stream.linear.gather @!p0 [hbm4b:s0+s29], $0x2800, $0x38;
	[tilespmem:$0x5400] =	vst v63  }
0x69: {  	v18 =	vmax.f32 v4, v18;
	v4 =	vmin.f32 v2, v20;
	v2 =	vmax.f32 v2, v20;
	_ =	swait.ge [sflag:s22], $0x2800  }
0x6a: {  	v3 =	vmax.f32 v3, v5;
	v0 =	vmin.f32 v16, v23;
	v20 =	vmax.f32 v1, v4;
	[sflag:s22] =	ssyncset.done $0x0  }
0x6b: {  	s31 =	simm.s32 $0x0;
	v1 =	vmin.f32 v12, v24;
	v30 =	vmax.f32 v13, v0;
	v0 =	vmin.f32 v15, v25;
	[sflag:s22] =	ssyncadd.s32 $0xFFFFD800  }
0x6c: {  	v24 =	vmax.f32 v12, v24;
	v5 =	vmax.f32 v10, v26;
	v4 =	vmax.f32 v11, v0;
	v0 =	vld [tilespmem:s31+$0x28F0]  }
0x6d: {  	v7 =	vmax.f32 v8, v21;
	v31 =	vmax.f32 v14, v1;
	v1 =	vmin.f32 v10, v26;
	v13 =	vld [tilespmem:s31+$0x2880]  }
0x6e: {  	v12 =	vmax.f32 v16, v23;
	v6 =	vmax.f32 v9, v1;
	v1 =	vmin.f32 v8, v21;
	v21 =	vld [tilespmem:s31+$0x2890]  }
0x6f: {  	v15 =	vmax.f32 v15, v25;
	v14 =	vmin.f32 v18, v27;
	v9 =	vmax.f32 v17, v19  }
0x70: {  	v11 =	vmax.f32 v18, v27;
	v8 =	vmax.f32 v22, v1;
	v1 =	vmin.f32 v17, v19;
	v18 =	vld [tilespmem:s31+$0x28A0]  }
0x71: {  	v17 =	vmin.f32 v2, v29;
	v19 =	vld [tilespmem:s31+$0x28B0];
	v10 =	vmax.f32 v28, v1;
	v1 =	vmax.f32 v2, v29  }
0x72: {  	v2 =	vmax.f32 v3, v14;
	v3 =	vmax.f32 v20, v17;
	v17 =	vld [tilespmem:s31+$0x28C0];
	v14 =	vmin.f32 v12, v0  }
0x73: {  	v20 =	vld [tilespmem:s31+$0x28D0];
	v16 =	vmin.f32 v24, v13;
	v13 =	vmax.f32 v24, v13;
	v22 =	vmin.f32 v15, v21  }
0x74: {  	s29 =	simm.s32 $0x80;
	s30 =	simm.s32 $0x400;
	v15 =	vmax.f32 v15, v21;
	v21 =	vld [tilespmem:s31+$0x28E0];
	v14 =	vmax.f32 v30, v14;
	v16 =	vmax.f32 v31, v16  }
.LBB2_5:
0x75: {  	p0 =	sne.s32 s30, $0x9E00;
	v23 =	vld [tilespmem:s29+$0x28F0];
	v4 =	vmax.f32 v4, v22;
	v22 =	vmin.f32 v5, v18;
	v5 =	vmax.f32 v5, v18  }
0x76: {  	v24 =	vld [tilespmem:s29+$0x2880];
	v6 =	vmax.f32 v6, v22;
	v18 =	vmin.f32 v7, v19;
	v7 =	vmax.f32 v7, v19  }
0x77: {  	v25 =	vld [tilespmem:s29+$0x2890];
	v8 =	vmax.f32 v8, v18;
	v19 =	vmin.f32 v9, v17;
	v9 =	vmax.f32 v9, v17  }
.Ltmp1:
0x78: {  	v18 =	vld [tilespmem:s29+$0x28A0];
	v10 =	vmax.f32 v10, v19;
	v22 =	vmin.f32 v11, v20;
	v11 =	vmax.f32 v11, v20;
	(pc) =	sbr.rel @p0 .LBB2_5-.Ltmp1, $4  }
0x79: {  	v12 =	vmax.f32 v12, v0;
	v19 =	vld [tilespmem:s29+$0x28B0];
	v20 =	vmin.f32 v1, v21;
	v1 =	vmax.f32 v1, v21  }
0x7a: {  	v2 =	vmax.f32 v2, v22;
	v17 =	vld [tilespmem:s29+$0x28C0];
	v21 =	vmin.f32 v12, v23;
	v3 =	vmax.f32 v3, v20;
	v0 =	vmovc v23  }
0x7b: {  	v22 =	vmin.f32 v13, v24;
	v13 =	vmax.f32 v13, v24;
	v20 =	vld [tilespmem:s29+$0x28D0];
	v14 =	vmax.f32 v14, v21  }
0x7c: {  	v16 =	vmax.f32 v16, v22;
	v22 =	vmin.f32 v15, v25;
	v15 =	vmax.f32 v15, v25;
	v21 =	vld [tilespmem:s29+$0x28E0];
	s29 =	sshra.s32 s30, $0x2;
	s30 =	sadd.s32 $0x200, s30  }
0x7d: {  	v23 =	vld [tilespmem:s29+$0x28F0]  }
0x7e: {  	v4 =	vmax.f32 v4, v22;
	v57 =	vmin.f32 v5, v18;
	v58 =	vld [tilespmem:s29+$0x2880]  }
0x7f: {  	v5 =	vmax.f32 v5, v18;
	v60 =	vld [tilespmem:s29+$0x2890];
	v0 =	vmax.f32 v12, v0;
	v59 =	vmin.f32 v7, v19  }
0x80: {  	v25 =	vld [tilespmem:s29+$0x28B0];
	v6 =	vmax.f32 v6, v57;
	v22 =	vmax.f32 v8, v59;
	v8 =	vmin.f32 v9, v17  }
0x81: {  	v7 =	vmax.f32 v7, v19;
	v17 =	vmax.f32 v9, v17;
	v9 =	vld [tilespmem:s29+$0x28A0];
	v24 =	vmax.f32 v10, v8  }
0x82: {  	v8 =	vmin.f32 v11, v20;
	v61 =	vmax.f32 v11, v20;
	v10 =	vmin.f32 v1, v21  }
0x83: {  	v62 =	vld [tilespmem:s29+$0x28C0];
	v1 =	vmax.f32 v1, v21;
	v26 =	vmax.f32 v2, v8;
	v11 =	vmin.f32 v0, v23  }
0x84: {  	v27 =	vmax.f32 v3, v10;
	v2 =	vmin.f32 v13, v58;
	v12 =	vmax.f32 v13, v58;
	v3 =	vld [tilespmem:s29+$0x28D0]  }
0x85: {  	s28 =	sadd.s32 $0x1, s28;
	v13 =	vmax.f32 v14, v11;
	v14 =	vmax.f32 v16, v2;
	v2 =	vmin.f32 v15, v60;
	v16 =	vld [tilespmem:s29+$0x28E0]  }
0x86: {  	p0 =	sne.s32 s28, $0x4;
	v8 =	vmax.f32 v7, v25;
	v11 =	vmax.f32 v4, v2;
	v2 =	vmin.f32 v5, v9  }
.Ltmp2:
0x87: {  	v10 =	vmax.f32 v5, v9;
	v9 =	vmax.f32 v6, v2;
	v2 =	vmin.f32 v7, v25;
	(pc) =	sbr.rel @p0 .LBB2_2-.Ltmp2, $4  }
0x88: {  	v0 =	vmax.f32 v0, v23;
	v7 =	vmax.f32 v22, v2;
	v2 =	vmin.f32 v17, v62  }
0x89: {  	v15 =	vmax.f32 v15, v60;
	v6 =	vmax.f32 v17, v62;
	v5 =	vmax.f32 v24, v2  }
0x8a: {  	v17 =	vmin.f32 v61, v3;
	v4 =	vmax.f32 v61, v3;
	v63 =	vmin.f32 v1, v16  }
0x8b: {  	v2 =	vmax.f32 v1, v16;
	v3 =	vmax.f32 v26, v17;
	v1 =	vmax.f32 v27, v63  }
0x8c: {  	[tilespmem:$0x5080] =	vst v12  }
0x8d: {  	[tilespmem:$0x5100] =	vst v14  }
0x8e: {  	[tilespmem:$0x5090] =	vst v15  }
0x8f: {  	[tilespmem:$0x5110] =	vst v11  }
0x90: {  	[tilespmem:$0x50A0] =	vst v10  }
0x91: {  	[tilespmem:$0x5120] =	vst v9  }
0x92: {  	[tilespmem:$0x50B0] =	vst v8  }
0x93: {  	[tilespmem:$0x5130] =	vst v7  }
0x94: {  	[tilespmem:$0x50C0] =	vst v6  }
0x95: {  	[tilespmem:$0x5140] =	vst v5  }
0x96: {  	[tilespmem:$0x50D0] =	vst v4  }
0x97: {  	[tilespmem:$0x5150] =	vst v3  }
0x98: {  	[tilespmem:$0x50E0] =	vst v2  }
0x99: {  	[tilespmem:$0x5160] =	vst v1  }
0x9a: {  	[tilespmem:$0x50F0] =	vst v0  }
0x9b: {  	[tilespmem:$0x5170] =	vst v13  }
0x9c: {  	[hbm4b:s9+s3] =	stream.linear.scatter [tilespmem:s23], [sflag:$0x3], $0x80, $0x38;
	[tilespmem:$0x5400] =	vst v63  }
0x9d: {  	_ =	swait.ge [sflag:s13], $0x80  }
0x9e: {  	[sflag:s13] =	ssyncset.done $0x0  }
0x9f: {  	[sflag:s13] =	ssyncadd.s32 $0xFFFFFF80  }
0xa0: {  	[hbm4b:s10+s3] =	stream.linear.scatter [tilespmem:s24], [sflag:$0x3], $0x80, $0x38;
	[tilespmem:$0x5400] =	vst v63  }
0xa1: {  	s26 =	sadd.s32 $0x1, s26;
	_ =	swait.ge [sflag:s13], $0x80  }
0xa2: {  	p0 =	sne.s32 s26, s12;
	[sflag:s13] =	ssyncset.done $0x0  }
.Ltmp3:
0xa3: {  	[sflag:s13] =	ssyncadd.s32 $0xFFFFFF80;
	(pc) =	sbr.rel @p0 .LBB2_1-.Ltmp3, $4  }
0xa4: {  	[hbm4b:s11+s3] =	stream.linear.scatter [tilespmem:s25], [sflag:$0x3], $0x40, $0x38;
	[tilespmem:$0x5400] =	vst v63  }
0xa5: {  	_ =	swait.ge [sflag:s13], $0x40  }
0xa6: {  	[sflag:s13] =	ssyncset.done $0x0  }
0xa7: {  	[sflag:s13] =	ssyncadd.s32 $0xFFFFFFC0  }
0xa8: {  	_ =	sfence.sel $0x180000  }
0xa9: {  	[bflag:$0x0] =	sbarrier.arrive $0xFFFF  }
0xaa: {  	_ =	strace $0x90000047  }
0xab: {  	[bflag:$0x2] =	sbarrier.arrive $0xFFFF  }
0xac: {  	p0 =	sne.s32 s1, $0x0;
	s0 =	rddreg [dreg:$0x2]  }
0xad: {  	s0 =	sadd.s32 @!p0 $0x100000, s0  }
0xae: {  	[sflag:s0] =	ssyncadd.tile.s32 @!p0 $0x1;
	_ =	shalt  }
.Lfunc_end2:
_tile_overlayer_lowered:
.L_overlay_start_2:
0xaf: {  	(tag) =	ssettag $0x2  }
0xb0: {  	s0 =	rddreg [dreg:$0x0];
	s2 =	stileid.u32  }
0xb1: {  	s1 =	rddreg [dreg:$0x1];
	p0 =	sne.s32 s2, $0x0  }
0xb2: {  	s3 =	rddreg [dreg:$0x2];
	[bflag:$0x3] =	sbarrier.arrive $0xFFFF;
	s2 =	simm.s32 @!p0 $0x1C03  }
0xb3: {  	[timem:s3], [sflag:s2] =	dma.local @!p0 [hbm:s0], s1  }
0xb4: {  	s0 =	simm.s32 @!p0 $0x3  }
0xb5: {  	_ =	swait.ge @!p0 [sflag:s0], s1  }
0xb6: {  	s1 =	ssub.s32 @!p0 $0x0, s1;
	[sflag:s0] =	ssyncset.done @!p0 $0x0  }
0xb7: {  	[sflag:s0] =	ssyncadd.s32 @!p0 s1  }
0xb8: {  	[bflag:$0x3] =	sbarrier.arrive $0xFFFF  }
0xb9: {  	_ =	shalt  }

</sc_bundles>
